<compile_context>
chip_gen: v7x
topology: tpu7x:2x2x1
jax: 0.10.2.dev20260603
libtpu: 0.0.44.dev20260713+nightly
codegen_flags: <defaults>
</compile_context>

<pallas_src>
import functools

import jax
import jax.numpy as jnp
from jax import lax
from jax.experimental import pallas as pl
from jax.experimental.pallas import tpu as pltpu
from jax.experimental.pallas import tpu_sc as plsc


def _gather_kernel(B0, B1, D, R, B1P, DP):
    info = plsc.get_sparse_core_info()
    NC, NS = info.num_cores, info.num_subcores
    NW = NC * NS
    rows_per_w = B0 // NW
    n_chunks = rows_per_w // R
    assert n_chunks % 2 == 0
    mesh = plsc.VectorSubcoreMesh(core_axis_name="c", subcore_axis_name="s")

    @functools.partial(
        pl.kernel,
        mesh=mesh,
        out_type=jax.ShapeDtypeStruct((B0, B1P, DP), jnp.float32),
        scratch_types=[
            pltpu.VMEM((R, B1), jnp.int32),
            pltpu.VMEM((R, B1), jnp.int32),
            pltpu.VMEM((R, B1, D), jnp.float32),
            pltpu.VMEM((R, B1, D), jnp.float32),
            pltpu.SemaphoreType.DMA,
            pltpu.SemaphoreType.DMA,
            pltpu.SemaphoreType.DMA,
            pltpu.SemaphoreType.DMA,
        ],
        compiler_params=pltpu.CompilerParams(use_tc_tiling_on_sc=False),
    )
    def k(table_hbm, data_hbm, out_hbm,
          raw0, raw1, rows0, rows1, gsem0, gsem1, isem0, isem1):
        wid = lax.axis_index("s") * NC + lax.axis_index("c")
        base = wid * rows_per_w
        bufs = ((raw0, rows0, gsem0, isem0), (raw1, rows1, gsem1, isem1))

        def idx_start(g, b):
            raw, _, _, isem = bufs[b]
            pltpu.async_copy(data_hbm.at[pl.ds(base + g * R, R), :], raw, isem)

        def gathers(g, b):
            raw, rows, gsem, isem = bufs[b]
            pltpu.make_async_copy(
                data_hbm.at[pl.ds(base + g * R, R), :], raw, isem
            ).wait()
            for j in range(R):
                pltpu.async_copy(table_hbm.at[raw.at[j]], rows.at[j], gsem)

        def finish(g, b):
            raw, rows, gsem, isem = bufs[b]
            r0 = base + g * R
            for j in range(R):
                pltpu.make_async_copy(table_hbm.at[raw.at[j]], rows.at[j], gsem).wait()

            @pl.when(g + 2 < n_chunks)
            def _():
                idx_start(g + 2, b)

            pltpu.sync_copy(
                rows, out_hbm.at[pl.ds(r0, R), pl.ds(0, B1), pl.ds(0, D)]
            )

        idx_start(0, 0)
        idx_start(1, 1)
        gathers(0, 0)

        def pair(j, carry):
            g = 2 * j
            gathers(g + 1, 1)
            finish(g, 0)

            @pl.when(g + 2 < n_chunks)
            def _():
                gathers(g + 2, 0)

            finish(g + 1, 1)
            return carry

        lax.fori_loop(0, n_chunks // 2, pair, 0)

    return k


def kernel(data, table):
    B0, B1 = data.shape
    V, D = table.shape
    idx = data.astype(jnp.int32)
    B1P = (B1 + 7) // 8 * 8
    DP = 128
    out = _gather_kernel(B0, B1, D, 16, B1P, DP)(table, idx)
    return out[:, :B1, :D]

# --- scband reference (transcript-rebuilt; emitter-appended) ---
"""Pipeline reference for scband-embedding-8761733284581 (READ-ONLY COPY).

The authoritative reference and input builder live on the scoring server;
editing this copy changes nothing except your own understanding.
"""

import jax, jax.numpy as jnp
import numpy as np

NUM_TOKENS = 1000000
D_MODEL = 64

def setup_inputs(seed: int = 0) -> dict:
    key = jax.random.key(seed)
    k1, k2 = jax.random.split(key)
    data = jax.random.randint(k1, (16384, 50), 0, NUM_TOKENS, dtype=jnp.int64 if jax.config.jax_enable_x64 else jnp.int32)
    table = jax.random.normal(k2, (NUM_TOKENS, D_MODEL), dtype=jnp.float32)
    # padding_idx=0: PyTorch initializes the padding row to zeros
    table = table.at[0].set(0.0)
    return {"data": data, "table": table}

def reference(data, table):
    # nn.Embedding forward: gather rows of the table by index
    return jnp.take(table, data, axis=0)

if __name__ == "__main__":
    import jax
    _d = setup_inputs()
    print(jax.jit(kernel)(*tuple(_d.values())))

</pallas_src>

<mosaic_0001>
#map = affine_map<(d0, d1) -> (0, 0)>
#map1 = affine_map<(d0, d1) -> (0, 0, 0)>
module attributes {stable_mosaic.version = 14 : i64} {
  func.func @k(%arg0: i32, %arg1: i32, %arg2: memref<1000000x64xf32, #tpu.memory_space<hbm>>, %arg3: memref<16384x50xi32, #tpu.memory_space<hbm>>, %arg4: memref<16384x56x128xf32, #tpu.memory_space<hbm>>, %arg5: memref<16x50xi32, #tpu.memory_space<vmem>>, %arg6: memref<16x50xi32, #tpu.memory_space<vmem>>, %arg7: memref<16x50x64xf32, #tpu.memory_space<vmem>>, %arg8: memref<16x50x64xf32, #tpu.memory_space<vmem>>, %arg9: memref<!tpu.dma_semaphore, #tpu.memory_space<semaphore_mem>>, %arg10: memref<!tpu.dma_semaphore, #tpu.memory_space<semaphore_mem>>, %arg11: memref<!tpu.dma_semaphore, #tpu.memory_space<semaphore_mem>>, %arg12: memref<!tpu.dma_semaphore, #tpu.memory_space<semaphore_mem>>) attributes {dimension_semantics = [#tpu.dimension_semantics<core_parallel>, #tpu.dimension_semantics<subcore_parallel>], iteration_bounds = array<i64: 2, 16>, scalar_prefetch = 0 : i64, scratch_operands = 8 : i64, tpu.core_type = #tpu.core_type<sc_vector_subcore>, window_params = [{transform_indices = #map}, {transform_indices = #map}, {transform_indices = #map1}]} {
    %mul3A = arith.constant 2 : i32
    %mul3A_0 = arith.muli %arg1, %mul3A : i32
    %add3A = arith.addi %mul3A_0, %arg0 : i32
    %mul3A_1 = arith.constant 512 : i32
    %mul3A_2 = arith.muli %add3A, %mul3A_1 : i32
    %add3A_3 = arith.constant 0 : i32
    %add3A_4 = arith.addi %mul3A_2, %add3A_3 : i32
    %dma_start3A = arith.constant 0 : i32
    %dma_start3A_5 = tpu.memref_slice %arg3[%add3A_4, %dma_start3A] : memref<16384x50xi32, #tpu.memory_space<hbm>> -> memref<16x50xi32, #tpu.memory_space<hbm>>
    %dma_start3A_6 = arith.constant 0 : i32
    %dma_start3A_7 = tpu.memref_slice %arg3[%add3A_4, %dma_start3A_6] : memref<16384x50xi32, #tpu.memory_space<hbm>> -> memref<16x50xi32, #tpu.memory_space<hbm>>
    tpu.enqueue_dma source(%dma_start3A_7 : memref<16x50xi32, #tpu.memory_space<hbm>>) target(%arg5 : memref<16x50xi32, #tpu.memory_space<vmem>>) target_semaphore(%arg11 : memref<!tpu.dma_semaphore, #tpu.memory_space<semaphore_mem>>)
    %add3A_8 = arith.constant 16 : i32
    %add3A_9 = arith.addi %mul3A_2, %add3A_8 : i32
    %dma_start3A_10 = arith.constant 0 : i32
    %dma_start3A_11 = tpu.memref_slice %arg3[%add3A_9, %dma_start3A_10] : memref<16384x50xi32, #tpu.memory_space<hbm>> -> memref<16x50xi32, #tpu.memory_space<hbm>>
    %dma_start3A_12 = arith.constant 0 : i32
    %dma_start3A_13 = tpu.memref_slice %arg3[%add3A_9, %dma_start3A_12] : memref<16384x50xi32, #tpu.memory_space<hbm>> -> memref<16x50xi32, #tpu.memory_space<hbm>>
    tpu.enqueue_dma source(%dma_start3A_13 : memref<16x50xi32, #tpu.memory_space<hbm>>) target(%arg6 : memref<16x50xi32, #tpu.memory_space<vmem>>) target_semaphore(%arg12 : memref<!tpu.dma_semaphore, #tpu.memory_space<semaphore_mem>>)
    %add3A_14 = arith.constant 0 : i32
    %add3A_15 = arith.addi %mul3A_2, %add3A_14 : i32
    %dma_wait3A = arith.constant 0 : i32
    %dma_wait3A_16 = tpu.memref_slice %arg3[%add3A_15, %dma_wait3A] : memref<16384x50xi32, #tpu.memory_space<hbm>> -> memref<16x50xi32, #tpu.memory_space<hbm>>
    %dma_wait3A_17 = arith.constant 0 : i32
    %dma_wait3A_18 = tpu.memref_slice %arg3[%add3A_15, %dma_wait3A_17] : memref<16384x50xi32, #tpu.memory_space<hbm>> -> memref<16x50xi32, #tpu.memory_space<hbm>>
    tpu.wait_dma2 semaphore(%arg11 : memref<!tpu.dma_semaphore, #tpu.memory_space<semaphore_mem>>) src(%dma_wait3A_18 : memref<16x50xi32, #tpu.memory_space<hbm>>) dst(%arg5 : memref<16x50xi32, #tpu.memory_space<vmem>>)
    %dma_start3A_19 = arith.constant 0 : i32
    %dma_start3A_20 = arith.constant 0 : i32
    %dma_start3A_21 = arith.constant 0 : i32
    %dma_start3A_22 = arith.constant 0 : i32
    %dma_start3A_23 = tpu.memref_slice %arg7[%dma_start3A_20, %dma_start3A_21, %dma_start3A_22] : memref<16x50x64xf32, #tpu.memory_space<vmem>> -> memref<1x50x64xf32, #tpu.memory_space<vmem>>
    %dma_start3A_24 = tpu.memref_squeeze %dma_start3A_23 : memref<1x50x64xf32, #tpu.memory_space<vmem>> -> memref<50x64xf32, #tpu.memory_space<vmem>>
    %dma_start3A_25 = arith.constant 0 : i32
    %dma_start3A_26 = tpu.memref_slice %arg5[%dma_start3A_19, %dma_start3A_25] : memref<16x50xi32, #tpu.memory_space<vmem>> -> memref<1x50xi32, #tpu.memory_space<vmem>>
    %dma_start3A_27 = tpu.memref_squeeze %dma_start3A_26 : memref<1x50xi32, #tpu.memory_space<vmem>> -> memref<50xi32, #tpu.memory_space<vmem>>
    %dma_start3A_28 = arith.constant 0 : i32
    %dma_start3A_29 = arith.constant 0 : i32
    %dma_start3A_30 = tpu.memref_slice %arg2[%dma_start3A_28, %dma_start3A_29] : memref<1000000x64xf32, #tpu.memory_space<hbm>> -> memref<1000000x64xf32, #tpu.memory_space<hbm>>
    tpu.enqueue_indirect_dma source(%dma_start3A_30 : memref<1000000x64xf32, #tpu.memory_space<hbm>>) target(%dma_start3A_24 : memref<50x64xf32, #tpu.memory_space<vmem>>) offsets(%dma_start3A_27 : memref<50xi32, #tpu.memory_space<vmem>>) semaphore(%arg9 : memref<!tpu.dma_semaphore, #tpu.memory_space<semaphore_mem>>)
    %dma_start3A_31 = arith.constant 1 : i32
    %dma_start3A_32 = arith.constant 1 : i32
    %dma_start3A_33 = arith.constant 0 : i32
    %dma_start3A_34 = arith.constant 0 : i32
    %dma_start3A_35 = tpu.memref_slice %arg7[%dma_start3A_32, %dma_start3A_33, %dma_start3A_34] : memref<16x50x64xf32, #tpu.memory_space<vmem>> -> memref<1x50x64xf32, #tpu.memory_space<vmem>>
    %dma_start3A_36 = tpu.memref_squeeze %dma_start3A_35 : memref<1x50x64xf32, #tpu.memory_space<vmem>> -> memref<50x64xf32, #tpu.memory_space<vmem>>
    %dma_start3A_37 = arith.constant 0 : i32
    %dma_start3A_38 = tpu.memref_slice %arg5[%dma_start3A_31, %dma_start3A_37] : memref<16x50xi32, #tpu.memory_space<vmem>> -> memref<1x50xi32, #tpu.memory_space<vmem>>
    %dma_start3A_39 = tpu.memref_squeeze %dma_start3A_38 : memref<1x50xi32, #tpu.memory_space<vmem>> -> memref<50xi32, #tpu.memory_space<vmem>>
    %dma_start3A_40 = arith.constant 0 : i32
    %dma_start3A_41 = arith.constant 0 : i32
    %dma_start3A_42 = tpu.memref_slice %arg2[%dma_start3A_40, %dma_start3A_41] : memref<1000000x64xf32, #tpu.memory_space<hbm>> -> memref<1000000x64xf32, #tpu.memory_space<hbm>>
    tpu.enqueue_indirect_dma source(%dma_start3A_42 : memref<1000000x64xf32, #tpu.memory_space<hbm>>) target(%dma_start3A_36 : memref<50x64xf32, #tpu.memory_space<vmem>>) offsets(%dma_start3A_39 : memref<50xi32, #tpu.memory_space<vmem>>) semaphore(%arg9 : memref<!tpu.dma_semaphore, #tpu.memory_space<semaphore_mem>>)
    %dma_start3A_43 = arith.constant 2 : i32
    %dma_start3A_44 = arith.constant 2 : i32
    %dma_start3A_45 = arith.constant 0 : i32
    %dma_start3A_46 = arith.constant 0 : i32
    %dma_start3A_47 = tpu.memref_slice %arg7[%dma_start3A_44, %dma_start3A_45, %dma_start3A_46] : memref<16x50x64xf32, #tpu.memory_space<vmem>> -> memref<1x50x64xf32, #tpu.memory_space<vmem>>
    %dma_start3A_48 = tpu.memref_squeeze %dma_start3A_47 : memref<1x50x64xf32, #tpu.memory_space<vmem>> -> memref<50x64xf32, #tpu.memory_space<vmem>>
    %dma_start3A_49 = arith.constant 0 : i32
    %dma_start3A_50 = tpu.memref_slice %arg5[%dma_start3A_43, %dma_start3A_49] : memref<16x50xi32, #tpu.memory_space<vmem>> -> memref<1x50xi32, #tpu.memory_space<vmem>>
    %dma_start3A_51 = tpu.memref_squeeze %dma_start3A_50 : memref<1x50xi32, #tpu.memory_space<vmem>> -> memref<50xi32, #tpu.memory_space<vmem>>
    %dma_start3A_52 = arith.constant 0 : i32
    %dma_start3A_53 = arith.constant 0 : i32
    %dma_start3A_54 = tpu.memref_slice %arg2[%dma_start3A_52, %dma_start3A_53] : memref<1000000x64xf32, #tpu.memory_space<hbm>> -> memref<1000000x64xf32, #tpu.memory_space<hbm>>
    tpu.enqueue_indirect_dma source(%dma_start3A_54 : memref<1000000x64xf32, #tpu.memory_space<hbm>>) target(%dma_start3A_48 : memref<50x64xf32, #tpu.memory_space<vmem>>) offsets(%dma_start3A_51 : memref<50xi32, #tpu.memory_space<vmem>>) semaphore(%arg9 : memref<!tpu.dma_semaphore, #tpu.memory_space<semaphore_mem>>)
    %dma_start3A_55 = arith.constant 3 : i32
    %dma_start3A_56 = arith.constant 3 : i32
    %dma_start3A_57 = arith.constant 0 : i32
    %dma_start3A_58 = arith.constant 0 : i32
    %dma_start3A_59 = tpu.memref_slice %arg7[%dma_start3A_56, %dma_start3A_57, %dma_start3A_58] : memref<16x50x64xf32, #tpu.memory_space<vmem>> -> memref<1x50x64xf32, #tpu.memory_space<vmem>>
    %dma_start3A_60 = tpu.memref_squeeze %dma_start3A_59 : memref<1x50x64xf32, #tpu.memory_space<vmem>> -> memref<50x64xf32, #tpu.memory_space<vmem>>
    %dma_start3A_61 = arith.constant 0 : i32
    %dma_start3A_62 = tpu.memref_slice %arg5[%dma_start3A_55, %dma_start3A_61] : memref<16x50xi32, #tpu.memory_space<vmem>> -> memref<1x50xi32, #tpu.memory_space<vmem>>
    %dma_start3A_63 = tpu.memref_squeeze %dma_start3A_62 : memref<1x50xi32, #tpu.memory_space<vmem>> -> memref<50xi32, #tpu.memory_space<vmem>>
    %dma_start3A_64 = arith.constant 0 : i32
    %dma_start3A_65 = arith.constant 0 : i32
    %dma_start3A_66 = tpu.memref_slice %arg2[%dma_start3A_64, %dma_start3A_65] : memref<1000000x64xf32, #tpu.memory_space<hbm>> -> memref<1000000x64xf32, #tpu.memory_space<hbm>>
    tpu.enqueue_indirect_dma source(%dma_start3A_66 : memref<1000000x64xf32, #tpu.memory_space<hbm>>) target(%dma_start3A_60 : memref<50x64xf32, #tpu.memory_space<vmem>>) offsets(%dma_start3A_63 : memref<50xi32, #tpu.memory_space<vmem>>) semaphore(%arg9 : memref<!tpu.dma_semaphore, #tpu.memory_space<semaphore_mem>>)
    %dma_start3A_67 = arith.constant 4 : i32
    %dma_start3A_68 = arith.constant 4 : i32
    %dma_start3A_69 = arith.constant 0 : i32
    %dma_start3A_70 = arith.constant 0 : i32
    %dma_start3A_71 = tpu.memref_slice %arg7[%dma_start3A_68, %dma_start3A_69, %dma_start3A_70] : memref<16x50x64xf32, #tpu.memory_space<vmem>> -> memref<1x50x64xf32, #tpu.memory_space<vmem>>
    %dma_start3A_72 = tpu.memref_squeeze %dma_start3A_71 : memref<1x50x64xf32, #tpu.memory_space<vmem>> -> memref<50x64xf32, #tpu.memory_space<vmem>>
    %dma_start3A_73 = arith.constant 0 : i32
    %dma_start3A_74 = tpu.memref_slice %arg5[%dma_start3A_67, %dma_start3A_73] : memref<16x50xi32, #tpu.memory_space<vmem>> -> memref<1x50xi32, #tpu.memory_space<vmem>>
    %dma_start3A_75 = tpu.memref_squeeze %dma_start3A_74 : memref<1x50xi32, #tpu.memory_space<vmem>> -> memref<50xi32, #tpu.memory_space<vmem>>
    %dma_start3A_76 = arith.constant 0 : i32
    %dma_start3A_77 = arith.constant 0 : i32
    %dma_start3A_78 = tpu.memref_slice %arg2[%dma_start3A_76, %dma_start3A_77] : memref<1000000x64xf32, #tpu.memory_space<hbm>> -> memref<1000000x64xf32, #tpu.memory_space<hbm>>
    tpu.enqueue_indirect_dma source(%dma_start3A_78 : memref<1000000x64xf32, #tpu.memory_space<hbm>>) target(%dma_start3A_72 : memref<50x64xf32, #tpu.memory_space<vmem>>) offsets(%dma_start3A_75 : memref<50xi32, #tpu.memory_space<vmem>>) semaphore(%arg9 : memref<!tpu.dma_semaphore, #tpu.memory_space<semaphore_mem>>)
    %dma_start3A_79 = arith.constant 5 : i32
    %dma_start3A_80 = arith.constant 5 : i32
    %dma_start3A_81 = arith.constant 0 : i32
    %dma_start3A_82 = arith.constant 0 : i32
    %dma_start3A_83 = tpu.memref_slice %arg7[%dma_start3A_80, %dma_start3A_81, %dma_start3A_82] : memref<16x50x64xf32, #tpu.memory_space<vmem>> -> memref<1x50x64xf32, #tpu.memory_space<vmem>>
    %dma_start3A_84 = tpu.memref_squeeze %dma_start3A_83 : memref<1x50x64xf32, #tpu.memory_space<vmem>> -> memref<50x64xf32, #tpu.memory_space<vmem>>
    %dma_start3A_85 = arith.constant 0 : i32
    %dma_start3A_86 = tpu.memref_slice %arg5[%dma_start3A_79, %dma_start3A_85] : memref<16x50xi32, #tpu.memory_space<vmem>> -> memref<1x50xi32, #tpu.memory_space<vmem>>
    %dma_start3A_87 = tpu.memref_squeeze %dma_start3A_86 : memref<1x50xi32, #tpu.memory_space<vmem>> -> memref<50xi32, #tpu.memory_space<vmem>>
    %dma_start3A_88 = arith.constant 0 : i32
    %dma_start3A_89 = arith.constant 0 : i32
    %dma_start3A_90 = tpu.memref_slice %arg2[%dma_start3A_88, %dma_start3A_89] : memref<1000000x64xf32, #tpu.memory_space<hbm>> -> memref<1000000x64xf32, #tpu.memory_space<hbm>>
    tpu.enqueue_indirect_dma source(%dma_start3A_90 : memref<1000000x64xf32, #tpu.memory_space<hbm>>) target(%dma_start3A_84 : memref<50x64xf32, #tpu.memory_space<vmem>>) offsets(%dma_start3A_87 : memref<50xi32, #tpu.memory_space<vmem>>) semaphore(%arg9 : memref<!tpu.dma_semaphore, #tpu.memory_space<semaphore_mem>>)
    %dma_start3A_91 = arith.constant 6 : i32
    %dma_start3A_92 = arith.constant 6 : i32
    %dma_start3A_93 = arith.constant 0 : i32
    %dma_start3A_94 = arith.constant 0 : i32
    %dma_start3A_95 = tpu.memref_slice %arg7[%dma_start3A_92, %dma_start3A_93, %dma_start3A_94] : memref<16x50x64xf32, #tpu.memory_space<vmem>> -> memref<1x50x64xf32, #tpu.memory_space<vmem>>
    %dma_start3A_96 = tpu.memref_squeeze %dma_start3A_95 : memref<1x50x64xf32, #tpu.memory_space<vmem>> -> memref<50x64xf32, #tpu.memory_space<vmem>>
    %dma_start3A_97 = arith.constant 0 : i32
    %dma_start3A_98 = tpu.memref_slice %arg5[%dma_start3A_91, %dma_start3A_97] : memref<16x50xi32, #tpu.memory_space<vmem>> -> memref<1x50xi32, #tpu.memory_space<vmem>>
    %dma_start3A_99 = tpu.memref_squeeze %dma_start3A_98 : memref<1x50xi32, #tpu.memory_space<vmem>> -> memref<50xi32, #tpu.memory_space<vmem>>
    %dma_start3A_100 = arith.constant 0 : i32
    %dma_start3A_101 = arith.constant 0 : i32
    %dma_start3A_102 = tpu.memref_slice %arg2[%dma_start3A_100, %dma_start3A_101] : memref<1000000x64xf32, #tpu.memory_space<hbm>> -> memref<1000000x64xf32, #tpu.memory_space<hbm>>
    tpu.enqueue_indirect_dma source(%dma_start3A_102 : memref<1000000x64xf32, #tpu.memory_space<hbm>>) target(%dma_start3A_96 : memref<50x64xf32, #tpu.memory_space<vmem>>) offsets(%dma_start3A_99 : memref<50xi32, #tpu.memory_space<vmem>>) semaphore(%arg9 : memref<!tpu.dma_semaphore, #tpu.memory_space<semaphore_mem>>)
    %dma_start3A_103 = arith.constant 7 : i32
    %dma_start3A_104 = arith.constant 7 : i32
    %dma_start3A_105 = arith.constant 0 : i32
    %dma_start3A_106 = arith.constant 0 : i32
    %dma_start3A_107 = tpu.memref_slice %arg7[%dma_start3A_104, %dma_start3A_105, %dma_start3A_106] : memref<16x50x64xf32, #tpu.memory_space<vmem>> -> memref<1x50x64xf32, #tpu.memory_space<vmem>>
    %dma_start3A_108 = tpu.memref_squeeze %dma_start3A_107 : memref<1x50x64xf32, #tpu.memory_space<vmem>> -> memref<50x64xf32, #tpu.memory_space<vmem>>
    %dma_start3A_109 = arith.constant 0 : i32
    %dma_start3A_110 = tpu.memref_slice %arg5[%dma_start3A_103, %dma_start3A_109] : memref<16x50xi32, #tpu.memory_space<vmem>> -> memref<1x50xi32, #tpu.memory_space<vmem>>
    %dma_start3A_111 = tpu.memref_squeeze %dma_start3A_110 : memref<1x50xi32, #tpu.memory_space<vmem>> -> memref<50xi32, #tpu.memory_space<vmem>>
    %dma_start3A_112 = arith.constant 0 : i32
    %dma_start3A_113 = arith.constant 0 : i32
    %dma_start3A_114 = tpu.memref_slice %arg2[%dma_start3A_112, %dma_start3A_113] : memref<1000000x64xf32, #tpu.memory_space<hbm>> -> memref<1000000x64xf32, #tpu.memory_space<hbm>>
    tpu.enqueue_indirect_dma source(%dma_start3A_114 : memref<1000000x64xf32, #tpu.memory_space<hbm>>) target(%dma_start3A_108 : memref<50x64xf32, #tpu.memory_space<vmem>>) offsets(%dma_start3A_111 : memref<50xi32, #tpu.memory_space<vmem>>) semaphore(%arg9 : memref<!tpu.dma_semaphore, #tpu.memory_space<semaphore_mem>>)
    %dma_start3A_115 = arith.constant 8 : i32
    %dma_start3A_116 = arith.constant 8 : i32
    %dma_start3A_117 = arith.constant 0 : i32
    %dma_start3A_118 = arith.constant 0 : i32
    %dma_start3A_119 = tpu.memref_slice %arg7[%dma_start3A_116, %dma_start3A_117, %dma_start3A_118] : memref<16x50x64xf32, #tpu.memory_space<vmem>> -> memref<1x50x64xf32, #tpu.memory_space<vmem>>
    %dma_start3A_120 = tpu.memref_squeeze %dma_start3A_119 : memref<1x50x64xf32, #tpu.memory_space<vmem>> -> memref<50x64xf32, #tpu.memory_space<vmem>>
    %dma_start3A_121 = arith.constant 0 : i32
    %dma_start3A_122 = tpu.memref_slice %arg5[%dma_start3A_115, %dma_start3A_121] : memref<16x50xi32, #tpu.memory_space<vmem>> -> memref<1x50xi32, #tpu.memory_space<vmem>>
    %dma_start3A_123 = tpu.memref_squeeze %dma_start3A_122 : memref<1x50xi32, #tpu.memory_space<vmem>> -> memref<50xi32, #tpu.memory_space<vmem>>
    %dma_start3A_124 = arith.constant 0 : i32
    %dma_start3A_125 = arith.constant 0 : i32
    %dma_start3A_126 = tpu.memref_slice %arg2[%dma_start3A_124, %dma_start3A_125] : memref<1000000x64xf32, #tpu.memory_space<hbm>> -> memref<1000000x64xf32, #tpu.memory_space<hbm>>
    tpu.enqueue_indirect_dma source(%dma_start3A_126 : memref<1000000x64xf32, #tpu.memory_space<hbm>>) target(%dma_start3A_120 : memref<50x64xf32, #tpu.memory_space<vmem>>) offsets(%dma_start3A_123 : memref<50xi32, #tpu.memory_space<vmem>>) semaphore(%arg9 : memref<!tpu.dma_semaphore, #tpu.memory_space<semaphore_mem>>)
    %dma_start3A_127 = arith.constant 9 : i32
    %dma_start3A_128 = arith.constant 9 : i32
    %dma_start3A_129 = arith.constant 0 : i32
    %dma_start3A_130 = arith.constant 0 : i32
    %dma_start3A_131 = tpu.memref_slice %arg7[%dma_start3A_128, %dma_start3A_129, %dma_start3A_130] : memref<16x50x64xf32, #tpu.memory_space<vmem>> -> memref<1x50x64xf32, #tpu.memory_space<vmem>>
    %dma_start3A_132 = tpu.memref_squeeze %dma_start3A_131 : memref<1x50x64xf32, #tpu.memory_space<vmem>> -> memref<50x64xf32, #tpu.memory_space<vmem>>
    %dma_start3A_133 = arith.constant 0 : i32
    %dma_start3A_134 = tpu.memref_slice %arg5[%dma_start3A_127, %dma_start3A_133] : memref<16x50xi32, #tpu.memory_space<vmem>> -> memref<1x50xi32, #tpu.memory_space<vmem>>
    %dma_start3A_135 = tpu.memref_squeeze %dma_start3A_134 : memref<1x50xi32, #tpu.memory_space<vmem>> -> memref<50xi32, #tpu.memory_space<vmem>>
    %dma_start3A_136 = arith.constant 0 : i32
    %dma_start3A_137 = arith.constant 0 : i32
    %dma_start3A_138 = tpu.memref_slice %arg2[%dma_start3A_136, %dma_start3A_137] : memref<1000000x64xf32, #tpu.memory_space<hbm>> -> memref<1000000x64xf32, #tpu.memory_space<hbm>>
    tpu.enqueue_indirect_dma source(%dma_start3A_138 : memref<1000000x64xf32, #tpu.memory_space<hbm>>) target(%dma_start3A_132 : memref<50x64xf32, #tpu.memory_space<vmem>>) offsets(%dma_start3A_135 : memref<50xi32, #tpu.memory_space<vmem>>) semaphore(%arg9 : memref<!tpu.dma_semaphore, #tpu.memory_space<semaphore_mem>>)
    %dma_start3A_139 = arith.constant 10 : i32
    %dma_start3A_140 = arith.constant 10 : i32
    %dma_start3A_141 = arith.constant 0 : i32
    %dma_start3A_142 = arith.constant 0 : i32
    %dma_start3A_143 = tpu.memref_slice %arg7[%dma_start3A_140, %dma_start3A_141, %dma_start3A_142] : memref<16x50x64xf32, #tpu.memory_space<vmem>> -> memref<1x50x64xf32, #tpu.memory_space<vmem>>
    %dma_start3A_144 = tpu.memref_squeeze %dma_start3A_143 : memref<1x50x64xf32, #tpu.memory_space<vmem>> -> memref<50x64xf32, #tpu.memory_space<vmem>>
    %dma_start3A_145 = arith.constant 0 : i32
    %dma_start3A_146 = tpu.memref_slice %arg5[%dma_start3A_139, %dma_start3A_145] : memref<16x50xi32, #tpu.memory_space<vmem>> -> memref<1x50xi32, #tpu.memory_space<vmem>>
    %dma_start3A_147 = tpu.memref_squeeze %dma_start3A_146 : memref<1x50xi32, #tpu.memory_space<vmem>> -> memref<50xi32, #tpu.memory_space<vmem>>
    %dma_start3A_148 = arith.constant 0 : i32
    %dma_start3A_149 = arith.constant 0 : i32
    %dma_start3A_150 = tpu.memref_slice %arg2[%dma_start3A_148, %dma_start3A_149] : memref<1000000x64xf32, #tpu.memory_space<hbm>> -> memref<1000000x64xf32, #tpu.memory_space<hbm>>
    tpu.enqueue_indirect_dma source(%dma_start3A_150 : memref<1000000x64xf32, #tpu.memory_space<hbm>>) target(%dma_start3A_144 : memref<50x64xf32, #tpu.memory_space<vmem>>) offsets(%dma_start3A_147 : memref<50xi32, #tpu.memory_space<vmem>>) semaphore(%arg9 : memref<!tpu.dma_semaphore, #tpu.memory_space<semaphore_mem>>)
    %dma_start3A_151 = arith.constant 11 : i32
    %dma_start3A_152 = arith.constant 11 : i32
    %dma_start3A_153 = arith.constant 0 : i32
    %dma_start3A_154 = arith.constant 0 : i32
    %dma_start3A_155 = tpu.memref_slice %arg7[%dma_start3A_152, %dma_start3A_153, %dma_start3A_154] : memref<16x50x64xf32, #tpu.memory_space<vmem>> -> memref<1x50x64xf32, #tpu.memory_space<vmem>>
    %dma_start3A_156 = tpu.memref_squeeze %dma_start3A_155 : memref<1x50x64xf32, #tpu.memory_space<vmem>> -> memref<50x64xf32, #tpu.memory_space<vmem>>
    %dma_start3A_157 = arith.constant 0 : i32
    %dma_start3A_158 = tpu.memref_slice %arg5[%dma_start3A_151, %dma_start3A_157] : memref<16x50xi32, #tpu.memory_space<vmem>> -> memref<1x50xi32, #tpu.memory_space<vmem>>
    %dma_start3A_159 = tpu.memref_squeeze %dma_start3A_158 : memref<1x50xi32, #tpu.memory_space<vmem>> -> memref<50xi32, #tpu.memory_space<vmem>>
    %dma_start3A_160 = arith.constant 0 : i32
    %dma_start3A_161 = arith.constant 0 : i32
    %dma_start3A_162 = tpu.memref_slice %arg2[%dma_start3A_160, %dma_start3A_161] : memref<1000000x64xf32, #tpu.memory_space<hbm>> -> memref<1000000x64xf32, #tpu.memory_space<hbm>>
    tpu.enqueue_indirect_dma source(%dma_start3A_162 : memref<1000000x64xf32, #tpu.memory_space<hbm>>) target(%dma_start3A_156 : memref<50x64xf32, #tpu.memory_space<vmem>>) offsets(%dma_start3A_159 : memref<50xi32, #tpu.memory_space<vmem>>) semaphore(%arg9 : memref<!tpu.dma_semaphore, #tpu.memory_space<semaphore_mem>>)
    %dma_start3A_163 = arith.constant 12 : i32
    %dma_start3A_164 = arith.constant 12 : i32
    %dma_start3A_165 = arith.constant 0 : i32
    %dma_start3A_166 = arith.constant 0 : i32
    %dma_start3A_167 = tpu.memref_slice %arg7[%dma_start3A_164, %dma_start3A_165, %dma_start3A_166] : memref<16x50x64xf32, #tpu.memory_space<vmem>> -> memref<1x50x64xf32, #tpu.memory_space<vmem>>
    %dma_start3A_168 = tpu.memref_squeeze %dma_start3A_167 : memref<1x50x64xf32, #tpu.memory_space<vmem>> -> memref<50x64xf32, #tpu.memory_space<vmem>>
    %dma_start3A_169 = arith.constant 0 : i32
    %dma_start3A_170 = tpu.memref_slice %arg5[%dma_start3A_163, %dma_start3A_169] : memref<16x50xi32, #tpu.memory_space<vmem>> -> memref<1x50xi32, #tpu.memory_space<vmem>>
    %dma_start3A_171 = tpu.memref_squeeze %dma_start3A_170 : memref<1x50xi32, #tpu.memory_space<vmem>> -> memref<50xi32, #tpu.memory_space<vmem>>
    %dma_start3A_172 = arith.constant 0 : i32
    %dma_start3A_173 = arith.constant 0 : i32
    %dma_start3A_174 = tpu.memref_slice %arg2[%dma_start3A_172, %dma_start3A_173] : memref<1000000x64xf32, #tpu.memory_space<hbm>> -> memref<1000000x64xf32, #tpu.memory_space<hbm>>
    tpu.enqueue_indirect_dma source(%dma_start3A_174 : memref<1000000x64xf32, #tpu.memory_space<hbm>>) target(%dma_start3A_168 : memref<50x64xf32, #tpu.memory_space<vmem>>) offsets(%dma_start3A_171 : memref<50xi32, #tpu.memory_space<vmem>>) semaphore(%arg9 : memref<!tpu.dma_semaphore, #tpu.memory_space<semaphore_mem>>)
    %dma_start3A_175 = arith.constant 13 : i32
    %dma_start3A_176 = arith.constant 13 : i32
    %dma_start3A_177 = arith.constant 0 : i32
    %dma_start3A_178 = arith.constant 0 : i32
    %dma_start3A_179 = tpu.memref_slice %arg7[%dma_start3A_176, %dma_start3A_177, %dma_start3A_178] : memref<16x50x64xf32, #tpu.memory_space<vmem>> -> memref<1x50x64xf32, #tpu.memory_space<vmem>>
    %dma_start3A_180 = tpu.memref_squeeze %dma_start3A_179 : memref<1x50x64xf32, #tpu.memory_space<vmem>> -> memref<50x64xf32, #tpu.memory_space<vmem>>
    %dma_start3A_181 = arith.constant 0 : i32
    %dma_start3A_182 = tpu.memref_slice %arg5[%dma_start3A_175, %dma_start3A_181] : memref<16x50xi32, #tpu.memory_space<vmem>> -> memref<1x50xi32, #tpu.memory_space<vmem>>
    %dma_start3A_183 = tpu.memref_squeeze %dma_start3A_182 : memref<1x50xi32, #tpu.memory_space<vmem>> -> memref<50xi32, #tpu.memory_space<vmem>>
    %dma_start3A_184 = arith.constant 0 : i32
    %dma_start3A_185 = arith.constant 0 : i32
    %dma_start3A_186 = tpu.memref_slice %arg2[%dma_start3A_184, %dma_start3A_185] : memref<1000000x64xf32, #tpu.memory_space<hbm>> -> memref<1000000x64xf32, #tpu.memory_space<hbm>>
    tpu.enqueue_indirect_dma source(%dma_start3A_186 : memref<1000000x64xf32, #tpu.memory_space<hbm>>) target(%dma_start3A_180 : memref<50x64xf32, #tpu.memory_space<vmem>>) offsets(%dma_start3A_183 : memref<50xi32, #tpu.memory_space<vmem>>) semaphore(%arg9 : memref<!tpu.dma_semaphore, #tpu.memory_space<semaphore_mem>>)
    %dma_start3A_187 = arith.constant 14 : i32
    %dma_start3A_188 = arith.constant 14 : i32
    %dma_start3A_189 = arith.constant 0 : i32
    %dma_start3A_190 = arith.constant 0 : i32
    %dma_start3A_191 = tpu.memref_slice %arg7[%dma_start3A_188, %dma_start3A_189, %dma_start3A_190] : memref<16x50x64xf32, #tpu.memory_space<vmem>> -> memref<1x50x64xf32, #tpu.memory_space<vmem>>
    %dma_start3A_192 = tpu.memref_squeeze %dma_start3A_191 : memref<1x50x64xf32, #tpu.memory_space<vmem>> -> memref<50x64xf32, #tpu.memory_space<vmem>>
    %dma_start3A_193 = arith.constant 0 : i32
    %dma_start3A_194 = tpu.memref_slice %arg5[%dma_start3A_187, %dma_start3A_193] : memref<16x50xi32, #tpu.memory_space<vmem>> -> memref<1x50xi32, #tpu.memory_space<vmem>>
    %dma_start3A_195 = tpu.memref_squeeze %dma_start3A_194 : memref<1x50xi32, #tpu.memory_space<vmem>> -> memref<50xi32, #tpu.memory_space<vmem>>
    %dma_start3A_196 = arith.constant 0 : i32
    %dma_start3A_197 = arith.constant 0 : i32
    %dma_start3A_198 = tpu.memref_slice %arg2[%dma_start3A_196, %dma_start3A_197] : memref<1000000x64xf32, #tpu.memory_space<hbm>> -> memref<1000000x64xf32, #tpu.memory_space<hbm>>
    tpu.enqueue_indirect_dma source(%dma_start3A_198 : memref<1000000x64xf32, #tpu.memory_space<hbm>>) target(%dma_start3A_192 : memref<50x64xf32, #tpu.memory_space<vmem>>) offsets(%dma_start3A_195 : memref<50xi32, #tpu.memory_space<vmem>>) semaphore(%arg9 : memref<!tpu.dma_semaphore, #tpu.memory_space<semaphore_mem>>)
    %dma_start3A_199 = arith.constant 15 : i32
    %dma_start3A_200 = arith.constant 15 : i32
    %dma_start3A_201 = arith.constant 0 : i32
    %dma_start3A_202 = arith.constant 0 : i32
    %dma_start3A_203 = tpu.memref_slice %arg7[%dma_start3A_200, %dma_start3A_201, %dma_start3A_202] : memref<16x50x64xf32, #tpu.memory_space<vmem>> -> memref<1x50x64xf32, #tpu.memory_space<vmem>>
    %dma_start3A_204 = tpu.memref_squeeze %dma_start3A_203 : memref<1x50x64xf32, #tpu.memory_space<vmem>> -> memref<50x64xf32, #tpu.memory_space<vmem>>
    %dma_start3A_205 = arith.constant 0 : i32
    %dma_start3A_206 = tpu.memref_slice %arg5[%dma_start3A_199, %dma_start3A_205] : memref<16x50xi32, #tpu.memory_space<vmem>> -> memref<1x50xi32, #tpu.memory_space<vmem>>
    %dma_start3A_207 = tpu.memref_squeeze %dma_start3A_206 : memref<1x50xi32, #tpu.memory_space<vmem>> -> memref<50xi32, #tpu.memory_space<vmem>>
    %dma_start3A_208 = arith.constant 0 : i32
    %dma_start3A_209 = arith.constant 0 : i32
    %dma_start3A_210 = tpu.memref_slice %arg2[%dma_start3A_208, %dma_start3A_209] : memref<1000000x64xf32, #tpu.memory_space<hbm>> -> memref<1000000x64xf32, #tpu.memory_space<hbm>>
    tpu.enqueue_indirect_dma source(%dma_start3A_210 : memref<1000000x64xf32, #tpu.memory_space<hbm>>) target(%dma_start3A_204 : memref<50x64xf32, #tpu.memory_space<vmem>>) offsets(%dma_start3A_207 : memref<50xi32, #tpu.memory_space<vmem>>) semaphore(%arg9 : memref<!tpu.dma_semaphore, #tpu.memory_space<semaphore_mem>>)
    %scan3A = arith.constant 0 : i32
    %scan3A_211 = arith.constant 0 : i32
    %scan3A_212 = arith.constant 16 : i32
    %scan3A_213 = arith.addi %scan3A_211, %scan3A_212 : i32
    %scan3A_214 = arith.constant 1 : i32
    scf.for %scan3A_216 = %scan3A_211 to %scan3A_213 step %scan3A_214  : i32 {
      %mul3A_217 = arith.constant 2 : i32
      %mul3A_218 = arith.muli %mul3A_217, %scan3A_216 : i32
      %add3A_219 = arith.constant 1 : i32
      %add3A_220 = arith.addi %mul3A_218, %add3A_219 : i32
      %mul3A_221 = arith.constant 16 : i32
      %mul3A_222 = arith.muli %add3A_220, %mul3A_221 : i32
      %add3A_223 = arith.addi %mul3A_2, %mul3A_222 : i32
      %dma_wait3A_224 = arith.constant 0 : i32
      %dma_wait3A_225 = tpu.memref_slice %arg3[%add3A_223, %dma_wait3A_224] : memref<16384x50xi32, #tpu.memory_space<hbm>> -> memref<16x50xi32, #tpu.memory_space<hbm>>
      %dma_wait3A_226 = arith.constant 0 : i32
      %dma_wait3A_227 = tpu.memref_slice %arg3[%add3A_223, %dma_wait3A_226] : memref<16384x50xi32, #tpu.memory_space<hbm>> -> memref<16x50xi32, #tpu.memory_space<hbm>>
      tpu.wait_dma2 semaphore(%arg12 : memref<!tpu.dma_semaphore, #tpu.memory_space<semaphore_mem>>) src(%dma_wait3A_227 : memref<16x50xi32, #tpu.memory_space<hbm>>) dst(%arg6 : memref<16x50xi32, #tpu.memory_space<vmem>>)
      %dma_start3A_228 = arith.constant 0 : i32
      %dma_start3A_229 = arith.constant 0 : i32
      %dma_start3A_230 = arith.constant 0 : i32
      %dma_start3A_231 = arith.constant 0 : i32
      %dma_start3A_232 = tpu.memref_slice %arg8[%dma_start3A_229, %dma_start3A_230, %dma_start3A_231] : memref<16x50x64xf32, #tpu.memory_space<vmem>> -> memref<1x50x64xf32, #tpu.memory_space<vmem>>
      %dma_start3A_233 = tpu.memref_squeeze %dma_start3A_232 : memref<1x50x64xf32, #tpu.memory_space<vmem>> -> memref<50x64xf32, #tpu.memory_space<vmem>>
      %dma_start3A_234 = arith.constant 0 : i32
      %dma_start3A_235 = tpu.memref_slice %arg6[%dma_start3A_228, %dma_start3A_234] : memref<16x50xi32, #tpu.memory_space<vmem>> -> memref<1x50xi32, #tpu.memory_space<vmem>>
      %dma_start3A_236 = tpu.memref_squeeze %dma_start3A_235 : memref<1x50xi32, #tpu.memory_space<vmem>> -> memref<50xi32, #tpu.memory_space<vmem>>
      %dma_start3A_237 = arith.constant 0 : i32
      %dma_start3A_238 = arith.constant 0 : i32
      %dma_start3A_239 = tpu.memref_slice %arg2[%dma_start3A_237, %dma_start3A_238] : memref<1000000x64xf32, #tpu.memory_space<hbm>> -> memref<1000000x64xf32, #tpu.memory_space<hbm>>
      tpu.enqueue_indirect_dma source(%dma_start3A_239 : memref<1000000x64xf32, #tpu.memory_space<hbm>>) target(%dma_start3A_233 : memref<50x64xf32, #tpu.memory_space<vmem>>) offsets(%dma_start3A_236 : memref<50xi32, #tpu.memory_space<vmem>>) semaphore(%arg10 : memref<!tpu.dma_semaphore, #tpu.memory_space<semaphore_mem>>)
      %dma_start3A_240 = arith.constant 1 : i32
      %dma_start3A_241 = arith.constant 1 : i32
      %dma_start3A_242 = arith.constant 0 : i32
      %dma_start3A_243 = arith.constant 0 : i32
      %dma_start3A_244 = tpu.memref_slice %arg8[%dma_start3A_241, %dma_start3A_242, %dma_start3A_243] : memref<16x50x64xf32, #tpu.memory_space<vmem>> -> memref<1x50x64xf32, #tpu.memory_space<vmem>>
      %dma_start3A_245 = tpu.memref_squeeze %dma_start3A_244 : memref<1x50x64xf32, #tpu.memory_space<vmem>> -> memref<50x64xf32, #tpu.memory_space<vmem>>
      %dma_start3A_246 = arith.constant 0 : i32
      %dma_start3A_247 = tpu.memref_slice %arg6[%dma_start3A_240, %dma_start3A_246] : memref<16x50xi32, #tpu.memory_space<vmem>> -> memref<1x50xi32, #tpu.memory_space<vmem>>
      %dma_start3A_248 = tpu.memref_squeeze %dma_start3A_247 : memref<1x50xi32, #tpu.memory_space<vmem>> -> memref<50xi32, #tpu.memory_space<vmem>>
      %dma_start3A_249 = arith.constant 0 : i32
      %dma_start3A_250 = arith.constant 0 : i32
      %dma_start3A_251 = tpu.memref_slice %arg2[%dma_start3A_249, %dma_start3A_250] : memref<1000000x64xf32, #tpu.memory_space<hbm>> -> memref<1000000x64xf32, #tpu.memory_space<hbm>>
      tpu.enqueue_indirect_dma source(%dma_start3A_251 : memref<1000000x64xf32, #tpu.memory_space<hbm>>) target(%dma_start3A_245 : memref<50x64xf32, #tpu.memory_space<vmem>>) offsets(%dma_start3A_248 : memref<50xi32, #tpu.memory_space<vmem>>) semaphore(%arg10 : memref<!tpu.dma_semaphore, #tpu.memory_space<semaphore_mem>>)
      %dma_start3A_252 = arith.constant 2 : i32
      %dma_start3A_253 = arith.constant 2 : i32
      %dma_start3A_254 = arith.constant 0 : i32
      %dma_start3A_255 = arith.constant 0 : i32
      %dma_start3A_256 = tpu.memref_slice %arg8[%dma_start3A_253, %dma_start3A_254, %dma_start3A_255] : memref<16x50x64xf32, #tpu.memory_space<vmem>> -> memref<1x50x64xf32, #tpu.memory_space<vmem>>
      %dma_start3A_257 = tpu.memref_squeeze %dma_start3A_256 : memref<1x50x64xf32, #tpu.memory_space<vmem>> -> memref<50x64xf32, #tpu.memory_space<vmem>>
      %dma_start3A_258 = arith.constant 0 : i32
      %dma_start3A_259 = tpu.memref_slice %arg6[%dma_start3A_252, %dma_start3A_258] : memref<16x50xi32, #tpu.memory_space<vmem>> -> memref<1x50xi32, #tpu.memory_space<vmem>>
      %dma_start3A_260 = tpu.memref_squeeze %dma_start3A_259 : memref<1x50xi32, #tpu.memory_space<vmem>> -> memref<50xi32, #tpu.memory_space<vmem>>
      %dma_start3A_261 = arith.constant 0 : i32
      %dma_start3A_262 = arith.constant 0 : i32
      %dma_start3A_263 = tpu.memref_slice %arg2[%dma_start3A_261, %dma_start3A_262] : memref<1000000x64xf32, #tpu.memory_space<hbm>> -> memref<1000000x64xf32, #tpu.memory_space<hbm>>
      tpu.enqueue_indirect_dma source(%dma_start3A_263 : memref<1000000x64xf32, #tpu.memory_space<hbm>>) target(%dma_start3A_257 : memref<50x64xf32, #tpu.memory_space<vmem>>) offsets(%dma_start3A_260 : memref<50xi32, #tpu.memory_space<vmem>>) semaphore(%arg10 : memref<!tpu.dma_semaphore, #tpu.memory_space<semaphore_mem>>)
      %dma_start3A_264 = arith.constant 3 : i32
      %dma_start3A_265 = arith.constant 3 : i32
      %dma_start3A_266 = arith.constant 0 : i32
      %dma_start3A_267 = arith.constant 0 : i32
      %dma_start3A_268 = tpu.memref_slice %arg8[%dma_start3A_265, %dma_start3A_266, %dma_start3A_267] : memref<16x50x64xf32, #tpu.memory_space<vmem>> -> memref<1x50x64xf32, #tpu.memory_space<vmem>>
      %dma_start3A_269 = tpu.memref_squeeze %dma_start3A_268 : memref<1x50x64xf32, #tpu.memory_space<vmem>> -> memref<50x64xf32, #tpu.memory_space<vmem>>
      %dma_start3A_270 = arith.constant 0 : i32
      %dma_start3A_271 = tpu.memref_slice %arg6[%dma_start3A_264, %dma_start3A_270] : memref<16x50xi32, #tpu.memory_space<vmem>> -> memref<1x50xi32, #tpu.memory_space<vmem>>
      %dma_start3A_272 = tpu.memref_squeeze %dma_start3A_271 : memref<1x50xi32, #tpu.memory_space<vmem>> -> memref<50xi32, #tpu.memory_space<vmem>>
      %dma_start3A_273 = arith.constant 0 : i32
      %dma_start3A_274 = arith.constant 0 : i32
      %dma_start3A_275 = tpu.memref_slice %arg2[%dma_start3A_273, %dma_start3A_274] : memref<1000000x64xf32, #tpu.memory_space<hbm>> -> memref<1000000x64xf32, #tpu.memory_space<hbm>>
      tpu.enqueue_indirect_dma source(%dma_start3A_275 : memref<1000000x64xf32, #tpu.memory_space<hbm>>) target(%dma_start3A_269 : memref<50x64xf32, #tpu.memory_space<vmem>>) offsets(%dma_start3A_272 : memref<50xi32, #tpu.memory_space<vmem>>) semaphore(%arg10 : memref<!tpu.dma_semaphore, #tpu.memory_space<semaphore_mem>>)
      %dma_start3A_276 = arith.constant 4 : i32
      %dma_start3A_277 = arith.constant 4 : i32
      %dma_start3A_278 = arith.constant 0 : i32
      %dma_start3A_279 = arith.constant 0 : i32
      %dma_start3A_280 = tpu.memref_slice %arg8[%dma_start3A_277, %dma_start3A_278, %dma_start3A_279] : memref<16x50x64xf32, #tpu.memory_space<vmem>> -> memref<1x50x64xf32, #tpu.memory_space<vmem>>
      %dma_start3A_281 = tpu.memref_squeeze %dma_start3A_280 : memref<1x50x64xf32, #tpu.memory_space<vmem>> -> memref<50x64xf32, #tpu.memory_space<vmem>>
      %dma_start3A_282 = arith.constant 0 : i32
      %dma_start3A_283 = tpu.memref_slice %arg6[%dma_start3A_276, %dma_start3A_282] : memref<16x50xi32, #tpu.memory_space<vmem>> -> memref<1x50xi32, #tpu.memory_space<vmem>>
      %dma_start3A_284 = tpu.memref_squeeze %dma_start3A_283 : memref<1x50xi32, #tpu.memory_space<vmem>> -> memref<50xi32, #tpu.memory_space<vmem>>
      %dma_start3A_285 = arith.constant 0 : i32
      %dma_start3A_286 = arith.constant 0 : i32
      %dma_start3A_287 = tpu.memref_slice %arg2[%dma_start3A_285, %dma_start3A_286] : memref<1000000x64xf32, #tpu.memory_space<hbm>> -> memref<1000000x64xf32, #tpu.memory_space<hbm>>
      tpu.enqueue_indirect_dma source(%dma_start3A_287 : memref<1000000x64xf32, #tpu.memory_space<hbm>>) target(%dma_start3A_281 : memref<50x64xf32, #tpu.memory_space<vmem>>) offsets(%dma_start3A_284 : memref<50xi32, #tpu.memory_space<vmem>>) semaphore(%arg10 : memref<!tpu.dma_semaphore, #tpu.memory_space<semaphore_mem>>)
      %dma_start3A_288 = arith.constant 5 : i32
      %dma_start3A_289 = arith.constant 5 : i32
      %dma_start3A_290 = arith.constant 0 : i32
      %dma_start3A_291 = arith.constant 0 : i32
      %dma_start3A_292 = tpu.memref_slice %arg8[%dma_start3A_289, %dma_start3A_290, %dma_start3A_291] : memref<16x50x64xf32, #tpu.memory_space<vmem>> -> memref<1x50x64xf32, #tpu.memory_space<vmem>>
      %dma_start3A_293 = tpu.memref_squeeze %dma_start3A_292 : memref<1x50x64xf32, #tpu.memory_space<vmem>> -> memref<50x64xf32, #tpu.memory_space<vmem>>
      %dma_start3A_294 = arith.constant 0 : i32
      %dma_start3A_295 = tpu.memref_slice %arg6[%dma_start3A_288, %dma_start3A_294] : memref<16x50xi32, #tpu.memory_space<vmem>> -> memref<1x50xi32, #tpu.memory_space<vmem>>
      %dma_start3A_296 = tpu.memref_squeeze %dma_start3A_295 : memref<1x50xi32, #tpu.memory_space<vmem>> -> memref<50xi32, #tpu.memory_space<vmem>>
      %dma_start3A_297 = arith.constant 0 : i32
      %dma_start3A_298 = arith.constant 0 : i32
      %dma_start3A_299 = tpu.memref_slice %arg2[%dma_start3A_297, %dma_start3A_298] : memref<1000000x64xf32, #tpu.memory_space<hbm>> -> memref<1000000x64xf32, #tpu.memory_space<hbm>>
      tpu.enqueue_indirect_dma source(%dma_start3A_299 : memref<1000000x64xf32, #tpu.memory_space<hbm>>) target(%dma_start3A_293 : memref<50x64xf32, #tpu.memory_space<vmem>>) offsets(%dma_start3A_296 : memref<50xi32, #tpu.memory_space<vmem>>) semaphore(%arg10 : memref<!tpu.dma_semaphore, #tpu.memory_space<semaphore_mem>>)
      %dma_start3A_300 = arith.constant 6 : i32
      %dma_start3A_301 = arith.constant 6 : i32
      %dma_start3A_302 = arith.constant 0 : i32
      %dma_start3A_303 = arith.constant 0 : i32
      %dma_start3A_304 = tpu.memref_slice %arg8[%dma_start3A_301, %dma_start3A_302, %dma_start3A_303] : memref<16x50x64xf32, #tpu.memory_space<vmem>> -> memref<1x50x64xf32, #tpu.memory_space<vmem>>
      %dma_start3A_305 = tpu.memref_squeeze %dma_start3A_304 : memref<1x50x64xf32, #tpu.memory_space<vmem>> -> memref<50x64xf32, #tpu.memory_space<vmem>>
      %dma_start3A_306 = arith.constant 0 : i32
      %dma_start3A_307 = tpu.memref_slice %arg6[%dma_start3A_300, %dma_start3A_306] : memref<16x50xi32, #tpu.memory_space<vmem>> -> memref<1x50xi32, #tpu.memory_space<vmem>>
      %dma_start3A_308 = tpu.memref_squeeze %dma_start3A_307 : memref<1x50xi32, #tpu.memory_space<vmem>> -> memref<50xi32, #tpu.memory_space<vmem>>
      %dma_start3A_309 = arith.constant 0 : i32
      %dma_start3A_310 = arith.constant 0 : i32
      %dma_start3A_311 = tpu.memref_slice %arg2[%dma_start3A_309, %dma_start3A_310] : memref<1000000x64xf32, #tpu.memory_space<hbm>> -> memref<1000000x64xf32, #tpu.memory_space<hbm>>
      tpu.enqueue_indirect_dma source(%dma_start3A_311 : memref<1000000x64xf32, #tpu.memory_space<hbm>>) target(%dma_start3A_305 : memref<50x64xf32, #tpu.memory_space<vmem>>) offsets(%dma_start3A_308 : memref<50xi32, #tpu.memory_space<vmem>>) semaphore(%arg10 : memref<!tpu.dma_semaphore, #tpu.memory_space<semaphore_mem>>)
      %dma_start3A_312 = arith.constant 7 : i32
      %dma_start3A_313 = arith.constant 7 : i32
      %dma_start3A_314 = arith.constant 0 : i32
      %dma_start3A_315 = arith.constant 0 : i32
      %dma_start3A_316 = tpu.memref_slice %arg8[%dma_start3A_313, %dma_start3A_314, %dma_start3A_315] : memref<16x50x64xf32, #tpu.memory_space<vmem>> -> memref<1x50x64xf32, #tpu.memory_space<vmem>>
      %dma_start3A_317 = tpu.memref_squeeze %dma_start3A_316 : memref<1x50x64xf32, #tpu.memory_space<vmem>> -> memref<50x64xf32, #tpu.memory_space<vmem>>
      %dma_start3A_318 = arith.constant 0 : i32
      %dma_start3A_319 = tpu.memref_slice %arg6[%dma_start3A_312, %dma_start3A_318] : memref<16x50xi32, #tpu.memory_space<vmem>> -> memref<1x50xi32, #tpu.memory_space<vmem>>
      %dma_start3A_320 = tpu.memref_squeeze %dma_start3A_319 : memref<1x50xi32, #tpu.memory_space<vmem>> -> memref<50xi32, #tpu.memory_space<vmem>>
      %dma_start3A_321 = arith.constant 0 : i32
      %dma_start3A_322 = arith.constant 0 : i32
      %dma_start3A_323 = tpu.memref_slice %arg2[%dma_start3A_321, %dma_start3A_322] : memref<1000000x64xf32, #tpu.memory_space<hbm>> -> memref<1000000x64xf32, #tpu.memory_space<hbm>>
      tpu.enqueue_indirect_dma source(%dma_start3A_323 : memref<1000000x64xf32, #tpu.memory_space<hbm>>) target(%dma_start3A_317 : memref<50x64xf32, #tpu.memory_space<vmem>>) offsets(%dma_start3A_320 : memref<50xi32, #tpu.memory_space<vmem>>) semaphore(%arg10 : memref<!tpu.dma_semaphore, #tpu.memory_space<semaphore_mem>>)
      %dma_start3A_324 = arith.constant 8 : i32
      %dma_start3A_325 = arith.constant 8 : i32
      %dma_start3A_326 = arith.constant 0 : i32
      %dma_start3A_327 = arith.constant 0 : i32
      %dma_start3A_328 = tpu.memref_slice %arg8[%dma_start3A_325, %dma_start3A_326, %dma_start3A_327] : memref<16x50x64xf32, #tpu.memory_space<vmem>> -> memref<1x50x64xf32, #tpu.memory_space<vmem>>
      %dma_start3A_329 = tpu.memref_squeeze %dma_start3A_328 : memref<1x50x64xf32, #tpu.memory_space<vmem>> -> memref<50x64xf32, #tpu.memory_space<vmem>>
      %dma_start3A_330 = arith.constant 0 : i32
      %dma_start3A_331 = tpu.memref_slice %arg6[%dma_start3A_324, %dma_start3A_330] : memref<16x50xi32, #tpu.memory_space<vmem>> -> memref<1x50xi32, #tpu.memory_space<vmem>>
      %dma_start3A_332 = tpu.memref_squeeze %dma_start3A_331 : memref<1x50xi32, #tpu.memory_space<vmem>> -> memref<50xi32, #tpu.memory_space<vmem>>
      %dma_start3A_333 = arith.constant 0 : i32
      %dma_start3A_334 = arith.constant 0 : i32
      %dma_start3A_335 = tpu.memref_slice %arg2[%dma_start3A_333, %dma_start3A_334] : memref<1000000x64xf32, #tpu.memory_space<hbm>> -> memref<1000000x64xf32, #tpu.memory_space<hbm>>
      tpu.enqueue_indirect_dma source(%dma_start3A_335 : memref<1000000x64xf32, #tpu.memory_space<hbm>>) target(%dma_start3A_329 : memref<50x64xf32, #tpu.memory_space<vmem>>) offsets(%dma_start3A_332 : memref<50xi32, #tpu.memory_space<vmem>>) semaphore(%arg10 : memref<!tpu.dma_semaphore, #tpu.memory_space<semaphore_mem>>)
      %dma_start3A_336 = arith.constant 9 : i32
      %dma_start3A_337 = arith.constant 9 : i32
      %dma_start3A_338 = arith.constant 0 : i32
      %dma_start3A_339 = arith.constant 0 : i32
      %dma_start3A_340 = tpu.memref_slice %arg8[%dma_start3A_337, %dma_start3A_338, %dma_start3A_339] : memref<16x50x64xf32, #tpu.memory_space<vmem>> -> memref<1x50x64xf32, #tpu.memory_space<vmem>>
      %dma_start3A_341 = tpu.memref_squeeze %dma_start3A_340 : memref<1x50x64xf32, #tpu.memory_space<vmem>> -> memref<50x64xf32, #tpu.memory_space<vmem>>
      %dma_start3A_342 = arith.constant 0 : i32
      %dma_start3A_343 = tpu.memref_slice %arg6[%dma_start3A_336, %dma_start3A_342] : memref<16x50xi32, #tpu.memory_space<vmem>> -> memref<1x50xi32, #tpu.memory_space<vmem>>
      %dma_start3A_344 = tpu.memref_squeeze %dma_start3A_343 : memref<1x50xi32, #tpu.memory_space<vmem>> -> memref<50xi32, #tpu.memory_space<vmem>>
      %dma_start3A_345 = arith.constant 0 : i32
      %dma_start3A_346 = arith.constant 0 : i32
      %dma_start3A_347 = tpu.memref_slice %arg2[%dma_start3A_345, %dma_start3A_346] : memref<1000000x64xf32, #tpu.memory_space<hbm>> -> memref<1000000x64xf32, #tpu.memory_space<hbm>>
      tpu.enqueue_indirect_dma source(%dma_start3A_347 : memref<1000000x64xf32, #tpu.memory_space<hbm>>) target(%dma_start3A_341 : memref<50x64xf32, #tpu.memory_space<vmem>>) offsets(%dma_start3A_344 : memref<50xi32, #tpu.memory_space<vmem>>) semaphore(%arg10 : memref<!tpu.dma_semaphore, #tpu.memory_space<semaphore_mem>>)
      %dma_start3A_348 = arith.constant 10 : i32
      %dma_start3A_349 = arith.constant 10 : i32
      %dma_start3A_350 = arith.constant 0 : i32
      %dma_start3A_351 = arith.constant 0 : i32
      %dma_start3A_352 = tpu.memref_slice %arg8[%dma_start3A_349, %dma_start3A_350, %dma_start3A_351] : memref<16x50x64xf32, #tpu.memory_space<vmem>> -> memref<1x50x64xf32, #tpu.memory_space<vmem>>
      %dma_start3A_353 = tpu.memref_squeeze %dma_start3A_352 : memref<1x50x64xf32, #tpu.memory_space<vmem>> -> memref<50x64xf32, #tpu.memory_space<vmem>>
      %dma_start3A_354 = arith.constant 0 : i32
      %dma_start3A_355 = tpu.memref_slice %arg6[%dma_start3A_348, %dma_start3A_354] : memref<16x50xi32, #tpu.memory_space<vmem>> -> memref<1x50xi32, #tpu.memory_space<vmem>>
      %dma_start3A_356 = tpu.memref_squeeze %dma_start3A_355 : memref<1x50xi32, #tpu.memory_space<vmem>> -> memref<50xi32, #tpu.memory_space<vmem>>
      %dma_start3A_357 = arith.constant 0 : i32
      %dma_start3A_358 = arith.constant 0 : i32
      %dma_start3A_359 = tpu.memref_slice %arg2[%dma_start3A_357, %dma_start3A_358] : memref<1000000x64xf32, #tpu.memory_space<hbm>> -> memref<1000000x64xf32, #tpu.memory_space<hbm>>
      tpu.enqueue_indirect_dma source(%dma_start3A_359 : memref<1000000x64xf32, #tpu.memory_space<hbm>>) target(%dma_start3A_353 : memref<50x64xf32, #tpu.memory_space<vmem>>) offsets(%dma_start3A_356 : memref<50xi32, #tpu.memory_space<vmem>>) semaphore(%arg10 : memref<!tpu.dma_semaphore, #tpu.memory_space<semaphore_mem>>)
      %dma_start3A_360 = arith.constant 11 : i32
      %dma_start3A_361 = arith.constant 11 : i32
      %dma_start3A_362 = arith.constant 0 : i32
      %dma_start3A_363 = arith.constant 0 : i32
      %dma_start3A_364 = tpu.memref_slice %arg8[%dma_start3A_361, %dma_start3A_362, %dma_start3A_363] : memref<16x50x64xf32, #tpu.memory_space<vmem>> -> memref<1x50x64xf32, #tpu.memory_space<vmem>>
      %dma_start3A_365 = tpu.memref_squeeze %dma_start3A_364 : memref<1x50x64xf32, #tpu.memory_space<vmem>> -> memref<50x64xf32, #tpu.memory_space<vmem>>
      %dma_start3A_366 = arith.constant 0 : i32
      %dma_start3A_367 = tpu.memref_slice %arg6[%dma_start3A_360, %dma_start3A_366] : memref<16x50xi32, #tpu.memory_space<vmem>> -> memref<1x50xi32, #tpu.memory_space<vmem>>
      %dma_start3A_368 = tpu.memref_squeeze %dma_start3A_367 : memref<1x50xi32, #tpu.memory_space<vmem>> -> memref<50xi32, #tpu.memory_space<vmem>>
      %dma_start3A_369 = arith.constant 0 : i32
      %dma_start3A_370 = arith.constant 0 : i32
      %dma_start3A_371 = tpu.memref_slice %arg2[%dma_start3A_369, %dma_start3A_370] : memref<1000000x64xf32, #tpu.memory_space<hbm>> -> memref<1000000x64xf32, #tpu.memory_space<hbm>>
      tpu.enqueue_indirect_dma source(%dma_start3A_371 : memref<1000000x64xf32, #tpu.memory_space<hbm>>) target(%dma_start3A_365 : memref<50x64xf32, #tpu.memory_space<vmem>>) offsets(%dma_start3A_368 : memref<50xi32, #tpu.memory_space<vmem>>) semaphore(%arg10 : memref<!tpu.dma_semaphore, #tpu.memory_space<semaphore_mem>>)
      %dma_start3A_372 = arith.constant 12 : i32
      %dma_start3A_373 = arith.constant 12 : i32
      %dma_start3A_374 = arith.constant 0 : i32
      %dma_start3A_375 = arith.constant 0 : i32
      %dma_start3A_376 = tpu.memref_slice %arg8[%dma_start3A_373, %dma_start3A_374, %dma_start3A_375] : memref<16x50x64xf32, #tpu.memory_space<vmem>> -> memref<1x50x64xf32, #tpu.memory_space<vmem>>
      %dma_start3A_377 = tpu.memref_squeeze %dma_start3A_376 : memref<1x50x64xf32, #tpu.memory_space<vmem>> -> memref<50x64xf32, #tpu.memory_space<vmem>>
      %dma_start3A_378 = arith.constant 0 : i32
      %dma_start3A_379 = tpu.memref_slice %arg6[%dma_start3A_372, %dma_start3A_378] : memref<16x50xi32, #tpu.memory_space<vmem>> -> memref<1x50xi32, #tpu.memory_space<vmem>>
      %dma_start3A_380 = tpu.memref_squeeze %dma_start3A_379 : memref<1x50xi32, #tpu.memory_space<vmem>> -> memref<50xi32, #tpu.memory_space<vmem>>
      %dma_start3A_381 = arith.constant 0 : i32
      %dma_start3A_382 = arith.constant 0 : i32
      %dma_start3A_383 = tpu.memref_slice %arg2[%dma_start3A_381, %dma_start3A_382] : memref<1000000x64xf32, #tpu.memory_space<hbm>> -> memref<1000000x64xf32, #tpu.memory_space<hbm>>
      tpu.enqueue_indirect_dma source(%dma_start3A_383 : memref<1000000x64xf32, #tpu.memory_space<hbm>>) target(%dma_start3A_377 : memref<50x64xf32, #tpu.memory_space<vmem>>) offsets(%dma_start3A_380 : memref<50xi32, #tpu.memory_space<vmem>>) semaphore(%arg10 : memref<!tpu.dma_semaphore, #tpu.memory_space<semaphore_mem>>)
      %dma_start3A_384 = arith.constant 13 : i32
      %dma_start3A_385 = arith.constant 13 : i32
      %dma_start3A_386 = arith.constant 0 : i32
      %dma_start3A_387 = arith.constant 0 : i32
      %dma_start3A_388 = tpu.memref_slice %arg8[%dma_start3A_385, %dma_start3A_386, %dma_start3A_387] : memref<16x50x64xf32, #tpu.memory_space<vmem>> -> memref<1x50x64xf32, #tpu.memory_space<vmem>>
      %dma_start3A_389 = tpu.memref_squeeze %dma_start3A_388 : memref<1x50x64xf32, #tpu.memory_space<vmem>> -> memref<50x64xf32, #tpu.memory_space<vmem>>
      %dma_start3A_390 = arith.constant 0 : i32
      %dma_start3A_391 = tpu.memref_slice %arg6[%dma_start3A_384, %dma_start3A_390] : memref<16x50xi32, #tpu.memory_space<vmem>> -> memref<1x50xi32, #tpu.memory_space<vmem>>
      %dma_start3A_392 = tpu.memref_squeeze %dma_start3A_391 : memref<1x50xi32, #tpu.memory_space<vmem>> -> memref<50xi32, #tpu.memory_space<vmem>>
      %dma_start3A_393 = arith.constant 0 : i32
      %dma_start3A_394 = arith.constant 0 : i32
      %dma_start3A_395 = tpu.memref_slice %arg2[%dma_start3A_393, %dma_start3A_394] : memref<1000000x64xf32, #tpu.memory_space<hbm>> -> memref<1000000x64xf32, #tpu.memory_space<hbm>>
      tpu.enqueue_indirect_dma source(%dma_start3A_395 : memref<1000000x64xf32, #tpu.memory_space<hbm>>) target(%dma_start3A_389 : memref<50x64xf32, #tpu.memory_space<vmem>>) offsets(%dma_start3A_392 : memref<50xi32, #tpu.memory_space<vmem>>) semaphore(%arg10 : memref<!tpu.dma_semaphore, #tpu.memory_space<semaphore_mem>>)
      %dma_start3A_396 = arith.constant 14 : i32
      %dma_start3A_397 = arith.constant 14 : i32
      %dma_start3A_398 = arith.constant 0 : i32
      %dma_start3A_399 = arith.constant 0 : i32
      %dma_start3A_400 = tpu.memref_slice %arg8[%dma_start3A_397, %dma_start3A_398, %dma_start3A_399] : memref<16x50x64xf32, #tpu.memory_space<vmem>> -> memref<1x50x64xf32, #tpu.memory_space<vmem>>
      %dma_start3A_401 = tpu.memref_squeeze %dma_start3A_400 : memref<1x50x64xf32, #tpu.memory_space<vmem>> -> memref<50x64xf32, #tpu.memory_space<vmem>>
      %dma_start3A_402 = arith.constant 0 : i32
      %dma_start3A_403 = tpu.memref_slice %arg6[%dma_start3A_396, %dma_start3A_402] : memref<16x50xi32, #tpu.memory_space<vmem>> -> memref<1x50xi32, #tpu.memory_space<vmem>>
      %dma_start3A_404 = tpu.memref_squeeze %dma_start3A_403 : memref<1x50xi32, #tpu.memory_space<vmem>> -> memref<50xi32, #tpu.memory_space<vmem>>
      %dma_start3A_405 = arith.constant 0 : i32
      %dma_start3A_406 = arith.constant 0 : i32
      %dma_start3A_407 = tpu.memref_slice %arg2[%dma_start3A_405, %dma_start3A_406] : memref<1000000x64xf32, #tpu.memory_space<hbm>> -> memref<1000000x64xf32, #tpu.memory_space<hbm>>
      tpu.enqueue_indirect_dma source(%dma_start3A_407 : memref<1000000x64xf32, #tpu.memory_space<hbm>>) target(%dma_start3A_401 : memref<50x64xf32, #tpu.memory_space<vmem>>) offsets(%dma_start3A_404 : memref<50xi32, #tpu.memory_space<vmem>>) semaphore(%arg10 : memref<!tpu.dma_semaphore, #tpu.memory_space<semaphore_mem>>)
      %dma_start3A_408 = arith.constant 15 : i32
      %dma_start3A_409 = arith.constant 15 : i32
      %dma_start3A_410 = arith.constant 0 : i32
      %dma_start3A_411 = arith.constant 0 : i32
      %dma_start3A_412 = tpu.memref_slice %arg8[%dma_start3A_409, %dma_start3A_410, %dma_start3A_411] : memref<16x50x64xf32, #tpu.memory_space<vmem>> -> memref<1x50x64xf32, #tpu.memory_space<vmem>>
      %dma_start3A_413 = tpu.memref_squeeze %dma_start3A_412 : memref<1x50x64xf32, #tpu.memory_space<vmem>> -> memref<50x64xf32, #tpu.memory_space<vmem>>
      %dma_start3A_414 = arith.constant 0 : i32
      %dma_start3A_415 = tpu.memref_slice %arg6[%dma_start3A_408, %dma_start3A_414] : memref<16x50xi32, #tpu.memory_space<vmem>> -> memref<1x50xi32, #tpu.memory_space<vmem>>
      %dma_start3A_416 = tpu.memref_squeeze %dma_start3A_415 : memref<1x50xi32, #tpu.memory_space<vmem>> -> memref<50xi32, #tpu.memory_space<vmem>>
      %dma_start3A_417 = arith.constant 0 : i32
      %dma_start3A_418 = arith.constant 0 : i32
      %dma_start3A_419 = tpu.memref_slice %arg2[%dma_start3A_417, %dma_start3A_418] : memref<1000000x64xf32, #tpu.memory_space<hbm>> -> memref<1000000x64xf32, #tpu.memory_space<hbm>>
      tpu.enqueue_indirect_dma source(%dma_start3A_419 : memref<1000000x64xf32, #tpu.memory_space<hbm>>) target(%dma_start3A_413 : memref<50x64xf32, #tpu.memory_space<vmem>>) offsets(%dma_start3A_416 : memref<50xi32, #tpu.memory_space<vmem>>) semaphore(%arg10 : memref<!tpu.dma_semaphore, #tpu.memory_space<semaphore_mem>>)
      %mul3A_420 = arith.constant 16 : i32
      %mul3A_421 = arith.muli %mul3A_218, %mul3A_420 : i32
      %add3A_422 = arith.addi %mul3A_2, %mul3A_421 : i32
      %dma_wait3A_423 = arith.constant 0 : i32
      %dma_wait3A_424 = arith.constant 0 : i32
      %dma_wait3A_425 = arith.constant 0 : i32
      %dma_wait3A_426 = arith.constant 0 : i32
      %dma_wait3A_427 = tpu.memref_slice %arg7[%dma_wait3A_424, %dma_wait3A_425, %dma_wait3A_426] : memref<16x50x64xf32, #tpu.memory_space<vmem>> -> memref<1x50x64xf32, #tpu.memory_space<vmem>>
      %dma_wait3A_428 = tpu.memref_squeeze %dma_wait3A_427 : memref<1x50x64xf32, #tpu.memory_space<vmem>> -> memref<50x64xf32, #tpu.memory_space<vmem>>
      %dma_wait3A_429 = arith.constant 0 : i32
      %dma_wait3A_430 = tpu.memref_slice %arg5[%dma_wait3A_423, %dma_wait3A_429] : memref<16x50xi32, #tpu.memory_space<vmem>> -> memref<1x50xi32, #tpu.memory_space<vmem>>
      %dma_wait3A_431 = tpu.memref_squeeze %dma_wait3A_430 : memref<1x50xi32, #tpu.memory_space<vmem>> -> memref<50xi32, #tpu.memory_space<vmem>>
      %dma_wait3A_432 = arith.constant 0 : i32
      %dma_wait3A_433 = arith.constant 0 : i32
      %dma_wait3A_434 = tpu.memref_slice %arg2[%dma_wait3A_432, %dma_wait3A_433] : memref<1000000x64xf32, #tpu.memory_space<hbm>> -> memref<1000000x64xf32, #tpu.memory_space<hbm>>
      tpu.wait_indirect_dma semaphore(%arg9 : memref<!tpu.dma_semaphore, #tpu.memory_space<semaphore_mem>>) src(%dma_wait3A_434 : memref<1000000x64xf32, #tpu.memory_space<hbm>>) dst(%dma_wait3A_428 : memref<50x64xf32, #tpu.memory_space<vmem>>)
      %dma_wait3A_435 = arith.constant 1 : i32
      %dma_wait3A_436 = arith.constant 1 : i32
      %dma_wait3A_437 = arith.constant 0 : i32
      %dma_wait3A_438 = arith.constant 0 : i32
      %dma_wait3A_439 = tpu.memref_slice %arg7[%dma_wait3A_436, %dma_wait3A_437, %dma_wait3A_438] : memref<16x50x64xf32, #tpu.memory_space<vmem>> -> memref<1x50x64xf32, #tpu.memory_space<vmem>>
      %dma_wait3A_440 = tpu.memref_squeeze %dma_wait3A_439 : memref<1x50x64xf32, #tpu.memory_space<vmem>> -> memref<50x64xf32, #tpu.memory_space<vmem>>
      %dma_wait3A_441 = arith.constant 0 : i32
      %dma_wait3A_442 = tpu.memref_slice %arg5[%dma_wait3A_435, %dma_wait3A_441] : memref<16x50xi32, #tpu.memory_space<vmem>> -> memref<1x50xi32, #tpu.memory_space<vmem>>
      %dma_wait3A_443 = tpu.memref_squeeze %dma_wait3A_442 : memref<1x50xi32, #tpu.memory_space<vmem>> -> memref<50xi32, #tpu.memory_space<vmem>>
      %dma_wait3A_444 = arith.constant 0 : i32
      %dma_wait3A_445 = arith.constant 0 : i32
      %dma_wait3A_446 = tpu.memref_slice %arg2[%dma_wait3A_444, %dma_wait3A_445] : memref<1000000x64xf32, #tpu.memory_space<hbm>> -> memref<1000000x64xf32, #tpu.memory_space<hbm>>
      tpu.wait_indirect_dma semaphore(%arg9 : memref<!tpu.dma_semaphore, #tpu.memory_space<semaphore_mem>>) src(%dma_wait3A_446 : memref<1000000x64xf32, #tpu.memory_space<hbm>>) dst(%dma_wait3A_440 : memref<50x64xf32, #tpu.memory_space<vmem>>)
      %dma_wait3A_447 = arith.constant 2 : i32
      %dma_wait3A_448 = arith.constant 2 : i32
      %dma_wait3A_449 = arith.constant 0 : i32
      %dma_wait3A_450 = arith.constant 0 : i32
      %dma_wait3A_451 = tpu.memref_slice %arg7[%dma_wait3A_448, %dma_wait3A_449, %dma_wait3A_450] : memref<16x50x64xf32, #tpu.memory_space<vmem>> -> memref<1x50x64xf32, #tpu.memory_space<vmem>>
      %dma_wait3A_452 = tpu.memref_squeeze %dma_wait3A_451 : memref<1x50x64xf32, #tpu.memory_space<vmem>> -> memref<50x64xf32, #tpu.memory_space<vmem>>
      %dma_wait3A_453 = arith.constant 0 : i32
      %dma_wait3A_454 = tpu.memref_slice %arg5[%dma_wait3A_447, %dma_wait3A_453] : memref<16x50xi32, #tpu.memory_space<vmem>> -> memref<1x50xi32, #tpu.memory_space<vmem>>
      %dma_wait3A_455 = tpu.memref_squeeze %dma_wait3A_454 : memref<1x50xi32, #tpu.memory_space<vmem>> -> memref<50xi32, #tpu.memory_space<vmem>>
      %dma_wait3A_456 = arith.constant 0 : i32
      %dma_wait3A_457 = arith.constant 0 : i32
      %dma_wait3A_458 = tpu.memref_slice %arg2[%dma_wait3A_456, %dma_wait3A_457] : memref<1000000x64xf32, #tpu.memory_space<hbm>> -> memref<1000000x64xf32, #tpu.memory_space<hbm>>
      tpu.wait_indirect_dma semaphore(%arg9 : memref<!tpu.dma_semaphore, #tpu.memory_space<semaphore_mem>>) src(%dma_wait3A_458 : memref<1000000x64xf32, #tpu.memory_space<hbm>>) dst(%dma_wait3A_452 : memref<50x64xf32, #tpu.memory_space<vmem>>)
      %dma_wait3A_459 = arith.constant 3 : i32
      %dma_wait3A_460 = arith.constant 3 : i32
      %dma_wait3A_461 = arith.constant 0 : i32
      %dma_wait3A_462 = arith.constant 0 : i32
      %dma_wait3A_463 = tpu.memref_slice %arg7[%dma_wait3A_460, %dma_wait3A_461, %dma_wait3A_462] : memref<16x50x64xf32, #tpu.memory_space<vmem>> -> memref<1x50x64xf32, #tpu.memory_space<vmem>>
      %dma_wait3A_464 = tpu.memref_squeeze %dma_wait3A_463 : memref<1x50x64xf32, #tpu.memory_space<vmem>> -> memref<50x64xf32, #tpu.memory_space<vmem>>
      %dma_wait3A_465 = arith.constant 0 : i32
      %dma_wait3A_466 = tpu.memref_slice %arg5[%dma_wait3A_459, %dma_wait3A_465] : memref<16x50xi32, #tpu.memory_space<vmem>> -> memref<1x50xi32, #tpu.memory_space<vmem>>
      %dma_wait3A_467 = tpu.memref_squeeze %dma_wait3A_466 : memref<1x50xi32, #tpu.memory_space<vmem>> -> memref<50xi32, #tpu.memory_space<vmem>>
      %dma_wait3A_468 = arith.constant 0 : i32
      %dma_wait3A_469 = arith.constant 0 : i32
      %dma_wait3A_470 = tpu.memref_slice %arg2[%dma_wait3A_468, %dma_wait3A_469] : memref<1000000x64xf32, #tpu.memory_space<hbm>> -> memref<1000000x64xf32, #tpu.memory_space<hbm>>
      tpu.wait_indirect_dma semaphore(%arg9 : memref<!tpu.dma_semaphore, #tpu.memory_space<semaphore_mem>>) src(%dma_wait3A_470 : memref<1000000x64xf32, #tpu.memory_space<hbm>>) dst(%dma_wait3A_464 : memref<50x64xf32, #tpu.memory_space<vmem>>)
      %dma_wait3A_471 = arith.constant 4 : i32
      %dma_wait3A_472 = arith.constant 4 : i32
      %dma_wait3A_473 = arith.constant 0 : i32
      %dma_wait3A_474 = arith.constant 0 : i32
      %dma_wait3A_475 = tpu.memref_slice %arg7[%dma_wait3A_472, %dma_wait3A_473, %dma_wait3A_474] : memref<16x50x64xf32, #tpu.memory_space<vmem>> -> memref<1x50x64xf32, #tpu.memory_space<vmem>>
      %dma_wait3A_476 = tpu.memref_squeeze %dma_wait3A_475 : memref<1x50x64xf32, #tpu.memory_space<vmem>> -> memref<50x64xf32, #tpu.memory_space<vmem>>
      %dma_wait3A_477 = arith.constant 0 : i32
      %dma_wait3A_478 = tpu.memref_slice %arg5[%dma_wait3A_471, %dma_wait3A_477] : memref<16x50xi32, #tpu.memory_space<vmem>> -> memref<1x50xi32, #tpu.memory_space<vmem>>
      %dma_wait3A_479 = tpu.memref_squeeze %dma_wait3A_478 : memref<1x50xi32, #tpu.memory_space<vmem>> -> memref<50xi32, #tpu.memory_space<vmem>>
      %dma_wait3A_480 = arith.constant 0 : i32
      %dma_wait3A_481 = arith.constant 0 : i32
      %dma_wait3A_482 = tpu.memref_slice %arg2[%dma_wait3A_480, %dma_wait3A_481] : memref<1000000x64xf32, #tpu.memory_space<hbm>> -> memref<1000000x64xf32, #tpu.memory_space<hbm>>
      tpu.wait_indirect_dma semaphore(%arg9 : memref<!tpu.dma_semaphore, #tpu.memory_space<semaphore_mem>>) src(%dma_wait3A_482 : memref<1000000x64xf32, #tpu.memory_space<hbm>>) dst(%dma_wait3A_476 : memref<50x64xf32, #tpu.memory_space<vmem>>)
      %dma_wait3A_483 = arith.constant 5 : i32
      %dma_wait3A_484 = arith.constant 5 : i32
      %dma_wait3A_485 = arith.constant 0 : i32
      %dma_wait3A_486 = arith.constant 0 : i32
      %dma_wait3A_487 = tpu.memref_slice %arg7[%dma_wait3A_484, %dma_wait3A_485, %dma_wait3A_486] : memref<16x50x64xf32, #tpu.memory_space<vmem>> -> memref<1x50x64xf32, #tpu.memory_space<vmem>>
      %dma_wait3A_488 = tpu.memref_squeeze %dma_wait3A_487 : memref<1x50x64xf32, #tpu.memory_space<vmem>> -> memref<50x64xf32, #tpu.memory_space<vmem>>
      %dma_wait3A_489 = arith.constant 0 : i32
      %dma_wait3A_490 = tpu.memref_slice %arg5[%dma_wait3A_483, %dma_wait3A_489] : memref<16x50xi32, #tpu.memory_space<vmem>> -> memref<1x50xi32, #tpu.memory_space<vmem>>
      %dma_wait3A_491 = tpu.memref_squeeze %dma_wait3A_490 : memref<1x50xi32, #tpu.memory_space<vmem>> -> memref<50xi32, #tpu.memory_space<vmem>>
      %dma_wait3A_492 = arith.constant 0 : i32
      %dma_wait3A_493 = arith.constant 0 : i32
      %dma_wait3A_494 = tpu.memref_slice %arg2[%dma_wait3A_492, %dma_wait3A_493] : memref<1000000x64xf32, #tpu.memory_space<hbm>> -> memref<1000000x64xf32, #tpu.memory_space<hbm>>
      tpu.wait_indirect_dma semaphore(%arg9 : memref<!tpu.dma_semaphore, #tpu.memory_space<semaphore_mem>>) src(%dma_wait3A_494 : memref<1000000x64xf32, #tpu.memory_space<hbm>>) dst(%dma_wait3A_488 : memref<50x64xf32, #tpu.memory_space<vmem>>)
      %dma_wait3A_495 = arith.constant 6 : i32
      %dma_wait3A_496 = arith.constant 6 : i32
      %dma_wait3A_497 = arith.constant 0 : i32
      %dma_wait3A_498 = arith.constant 0 : i32
      %dma_wait3A_499 = tpu.memref_slice %arg7[%dma_wait3A_496, %dma_wait3A_497, %dma_wait3A_498] : memref<16x50x64xf32, #tpu.memory_space<vmem>> -> memref<1x50x64xf32, #tpu.memory_space<vmem>>
      %dma_wait3A_500 = tpu.memref_squeeze %dma_wait3A_499 : memref<1x50x64xf32, #tpu.memory_space<vmem>> -> memref<50x64xf32, #tpu.memory_space<vmem>>
      %dma_wait3A_501 = arith.constant 0 : i32
      %dma_wait3A_502 = tpu.memref_slice %arg5[%dma_wait3A_495, %dma_wait3A_501] : memref<16x50xi32, #tpu.memory_space<vmem>> -> memref<1x50xi32, #tpu.memory_space<vmem>>
      %dma_wait3A_503 = tpu.memref_squeeze %dma_wait3A_502 : memref<1x50xi32, #tpu.memory_space<vmem>> -> memref<50xi32, #tpu.memory_space<vmem>>
      %dma_wait3A_504 = arith.constant 0 : i32
      %dma_wait3A_505 = arith.constant 0 : i32
      %dma_wait3A_506 = tpu.memref_slice %arg2[%dma_wait3A_504, %dma_wait3A_505] : memref<1000000x64xf32, #tpu.memory_space<hbm>> -> memref<1000000x64xf32, #tpu.memory_space<hbm>>
      tpu.wait_indirect_dma semaphore(%arg9 : memref<!tpu.dma_semaphore, #tpu.memory_space<semaphore_mem>>) src(%dma_wait3A_506 : memref<1000000x64xf32, #tpu.memory_space<hbm>>) dst(%dma_wait3A_500 : memref<50x64xf32, #tpu.memory_space<vmem>>)
      %dma_wait3A_507 = arith.constant 7 : i32
      %dma_wait3A_508 = arith.constant 7 : i32
      %dma_wait3A_509 = arith.constant 0 : i32
      %dma_wait3A_510 = arith.constant 0 : i32
      %dma_wait3A_511 = tpu.memref_slice %arg7[%dma_wait3A_508, %dma_wait3A_509, %dma_wait3A_510] : memref<16x50x64xf32, #tpu.memory_space<vmem>> -> memref<1x50x64xf32, #tpu.memory_space<vmem>>
      %dma_wait3A_512 = tpu.memref_squeeze %dma_wait3A_511 : memref<1x50x64xf32, #tpu.memory_space<vmem>> -> memref<50x64xf32, #tpu.memory_space<vmem>>
      %dma_wait3A_513 = arith.constant 0 : i32
      %dma_wait3A_514 = tpu.memref_slice %arg5[%dma_wait3A_507, %dma_wait3A_513] : memref<16x50xi32, #tpu.memory_space<vmem>> -> memref<1x50xi32, #tpu.memory_space<vmem>>
      %dma_wait3A_515 = tpu.memref_squeeze %dma_wait3A_514 : memref<1x50xi32, #tpu.memory_space<vmem>> -> memref<50xi32, #tpu.memory_space<vmem>>
      %dma_wait3A_516 = arith.constant 0 : i32
      %dma_wait3A_517 = arith.constant 0 : i32
      %dma_wait3A_518 = tpu.memref_slice %arg2[%dma_wait3A_516, %dma_wait3A_517] : memref<1000000x64xf32, #tpu.memory_space<hbm>> -> memref<1000000x64xf32, #tpu.memory_space<hbm>>
      tpu.wait_indirect_dma semaphore(%arg9 : memref<!tpu.dma_semaphore, #tpu.memory_space<semaphore_mem>>) src(%dma_wait3A_518 : memref<1000000x64xf32, #tpu.memory_space<hbm>>) dst(%dma_wait3A_512 : memref<50x64xf32, #tpu.memory_space<vmem>>)
      %dma_wait3A_519 = arith.constant 8 : i32
      %dma_wait3A_520 = arith.constant 8 : i32
      %dma_wait3A_521 = arith.constant 0 : i32
      %dma_wait3A_522 = arith.constant 0 : i32
      %dma_wait3A_523 = tpu.memref_slice %arg7[%dma_wait3A_520, %dma_wait3A_521, %dma_wait3A_522] : memref<16x50x64xf32, #tpu.memory_space<vmem>> -> memref<1x50x64xf32, #tpu.memory_space<vmem>>
      %dma_wait3A_524 = tpu.memref_squeeze %dma_wait3A_523 : memref<1x50x64xf32, #tpu.memory_space<vmem>> -> memref<50x64xf32, #tpu.memory_space<vmem>>
      %dma_wait3A_525 = arith.constant 0 : i32
      %dma_wait3A_526 = tpu.memref_slice %arg5[%dma_wait3A_519, %dma_wait3A_525] : memref<16x50xi32, #tpu.memory_space<vmem>> -> memref<1x50xi32, #tpu.memory_space<vmem>>
      %dma_wait3A_527 = tpu.memref_squeeze %dma_wait3A_526 : memref<1x50xi32, #tpu.memory_space<vmem>> -> memref<50xi32, #tpu.memory_space<vmem>>
      %dma_wait3A_528 = arith.constant 0 : i32
      %dma_wait3A_529 = arith.constant 0 : i32
      %dma_wait3A_530 = tpu.memref_slice %arg2[%dma_wait3A_528, %dma_wait3A_529] : memref<1000000x64xf32, #tpu.memory_space<hbm>> -> memref<1000000x64xf32, #tpu.memory_space<hbm>>
      tpu.wait_indirect_dma semaphore(%arg9 : memref<!tpu.dma_semaphore, #tpu.memory_space<semaphore_mem>>) src(%dma_wait3A_530 : memref<1000000x64xf32, #tpu.memory_space<hbm>>) dst(%dma_wait3A_524 : memref<50x64xf32, #tpu.memory_space<vmem>>)
      %dma_wait3A_531 = arith.constant 9 : i32
      %dma_wait3A_532 = arith.constant 9 : i32
      %dma_wait3A_533 = arith.constant 0 : i32
      %dma_wait3A_534 = arith.constant 0 : i32
      %dma_wait3A_535 = tpu.memref_slice %arg7[%dma_wait3A_532, %dma_wait3A_533, %dma_wait3A_534] : memref<16x50x64xf32, #tpu.memory_space<vmem>> -> memref<1x50x64xf32, #tpu.memory_space<vmem>>
      %dma_wait3A_536 = tpu.memref_squeeze %dma_wait3A_535 : memref<1x50x64xf32, #tpu.memory_space<vmem>> -> memref<50x64xf32, #tpu.memory_space<vmem>>
      %dma_wait3A_537 = arith.constant 0 : i32
      %dma_wait3A_538 = tpu.memref_slice %arg5[%dma_wait3A_531, %dma_wait3A_537] : memref<16x50xi32, #tpu.memory_space<vmem>> -> memref<1x50xi32, #tpu.memory_space<vmem>>
      %dma_wait3A_539 = tpu.memref_squeeze %dma_wait3A_538 : memref<1x50xi32, #tpu.memory_space<vmem>> -> memref<50xi32, #tpu.memory_space<vmem>>
      %dma_wait3A_540 = arith.constant 0 : i32
      %dma_wait3A_541 = arith.constant 0 : i32
      %dma_wait3A_542 = tpu.memref_slice %arg2[%dma_wait3A_540, %dma_wait3A_541] : memref<1000000x64xf32, #tpu.memory_space<hbm>> -> memref<1000000x64xf32, #tpu.memory_space<hbm>>
      tpu.wait_indirect_dma semaphore(%arg9 : memref<!tpu.dma_semaphore, #tpu.memory_space<semaphore_mem>>) src(%dma_wait3A_542 : memref<1000000x64xf32, #tpu.memory_space<hbm>>) dst(%dma_wait3A_536 : memref<50x64xf32, #tpu.memory_space<vmem>>)
      %dma_wait3A_543 = arith.constant 10 : i32
      %dma_wait3A_544 = arith.constant 10 : i32
      %dma_wait3A_545 = arith.constant 0 : i32
      %dma_wait3A_546 = arith.constant 0 : i32
      %dma_wait3A_547 = tpu.memref_slice %arg7[%dma_wait3A_544, %dma_wait3A_545, %dma_wait3A_546] : memref<16x50x64xf32, #tpu.memory_space<vmem>> -> memref<1x50x64xf32, #tpu.memory_space<vmem>>
      %dma_wait3A_548 = tpu.memref_squeeze %dma_wait3A_547 : memref<1x50x64xf32, #tpu.memory_space<vmem>> -> memref<50x64xf32, #tpu.memory_space<vmem>>
      %dma_wait3A_549 = arith.constant 0 : i32
      %dma_wait3A_550 = tpu.memref_slice %arg5[%dma_wait3A_543, %dma_wait3A_549] : memref<16x50xi32, #tpu.memory_space<vmem>> -> memref<1x50xi32, #tpu.memory_space<vmem>>
      %dma_wait3A_551 = tpu.memref_squeeze %dma_wait3A_550 : memref<1x50xi32, #tpu.memory_space<vmem>> -> memref<50xi32, #tpu.memory_space<vmem>>
      %dma_wait3A_552 = arith.constant 0 : i32
      %dma_wait3A_553 = arith.constant 0 : i32
      %dma_wait3A_554 = tpu.memref_slice %arg2[%dma_wait3A_552, %dma_wait3A_553] : memref<1000000x64xf32, #tpu.memory_space<hbm>> -> memref<1000000x64xf32, #tpu.memory_space<hbm>>
      tpu.wait_indirect_dma semaphore(%arg9 : memref<!tpu.dma_semaphore, #tpu.memory_space<semaphore_mem>>) src(%dma_wait3A_554 : memref<1000000x64xf32, #tpu.memory_space<hbm>>) dst(%dma_wait3A_548 : memref<50x64xf32, #tpu.memory_space<vmem>>)
      %dma_wait3A_555 = arith.constant 11 : i32
      %dma_wait3A_556 = arith.constant 11 : i32
      %dma_wait3A_557 = arith.constant 0 : i32
      %dma_wait3A_558 = arith.constant 0 : i32
      %dma_wait3A_559 = tpu.memref_slice %arg7[%dma_wait3A_556, %dma_wait3A_557, %dma_wait3A_558] : memref<16x50x64xf32, #tpu.memory_space<vmem>> -> memref<1x50x64xf32, #tpu.memory_space<vmem>>
      %dma_wait3A_560 = tpu.memref_squeeze %dma_wait3A_559 : memref<1x50x64xf32, #tpu.memory_space<vmem>> -> memref<50x64xf32, #tpu.memory_space<vmem>>
      %dma_wait3A_561 = arith.constant 0 : i32
      %dma_wait3A_562 = tpu.memref_slice %arg5[%dma_wait3A_555, %dma_wait3A_561] : memref<16x50xi32, #tpu.memory_space<vmem>> -> memref<1x50xi32, #tpu.memory_space<vmem>>
      %dma_wait3A_563 = tpu.memref_squeeze %dma_wait3A_562 : memref<1x50xi32, #tpu.memory_space<vmem>> -> memref<50xi32, #tpu.memory_space<vmem>>
      %dma_wait3A_564 = arith.constant 0 : i32
      %dma_wait3A_565 = arith.constant 0 : i32
      %dma_wait3A_566 = tpu.memref_slice %arg2[%dma_wait3A_564, %dma_wait3A_565] : memref<1000000x64xf32, #tpu.memory_space<hbm>> -> memref<1000000x64xf32, #tpu.memory_space<hbm>>
      tpu.wait_indirect_dma semaphore(%arg9 : memref<!tpu.dma_semaphore, #tpu.memory_space<semaphore_mem>>) src(%dma_wait3A_566 : memref<1000000x64xf32, #tpu.memory_space<hbm>>) dst(%dma_wait3A_560 : memref<50x64xf32, #tpu.memory_space<vmem>>)
      %dma_wait3A_567 = arith.constant 12 : i32
      %dma_wait3A_568 = arith.constant 12 : i32
      %dma_wait3A_569 = arith.constant 0 : i32
      %dma_wait3A_570 = arith.constant 0 : i32
      %dma_wait3A_571 = tpu.memref_slice %arg7[%dma_wait3A_568, %dma_wait3A_569, %dma_wait3A_570] : memref<16x50x64xf32, #tpu.memory_space<vmem>> -> memref<1x50x64xf32, #tpu.memory_space<vmem>>
      %dma_wait3A_572 = tpu.memref_squeeze %dma_wait3A_571 : memref<1x50x64xf32, #tpu.memory_space<vmem>> -> memref<50x64xf32, #tpu.memory_space<vmem>>
      %dma_wait3A_573 = arith.constant 0 : i32
      %dma_wait3A_574 = tpu.memref_slice %arg5[%dma_wait3A_567, %dma_wait3A_573] : memref<16x50xi32, #tpu.memory_space<vmem>> -> memref<1x50xi32, #tpu.memory_space<vmem>>
      %dma_wait3A_575 = tpu.memref_squeeze %dma_wait3A_574 : memref<1x50xi32, #tpu.memory_space<vmem>> -> memref<50xi32, #tpu.memory_space<vmem>>
      %dma_wait3A_576 = arith.constant 0 : i32
      %dma_wait3A_577 = arith.constant 0 : i32
      %dma_wait3A_578 = tpu.memref_slice %arg2[%dma_wait3A_576, %dma_wait3A_577] : memref<1000000x64xf32, #tpu.memory_space<hbm>> -> memref<1000000x64xf32, #tpu.memory_space<hbm>>
      tpu.wait_indirect_dma semaphore(%arg9 : memref<!tpu.dma_semaphore, #tpu.memory_space<semaphore_mem>>) src(%dma_wait3A_578 : memref<1000000x64xf32, #tpu.memory_space<hbm>>) dst(%dma_wait3A_572 : memref<50x64xf32, #tpu.memory_space<vmem>>)
      %dma_wait3A_579 = arith.constant 13 : i32
      %dma_wait3A_580 = arith.constant 13 : i32
      %dma_wait3A_581 = arith.constant 0 : i32
      %dma_wait3A_582 = arith.constant 0 : i32
      %dma_wait3A_583 = tpu.memref_slice %arg7[%dma_wait3A_580, %dma_wait3A_581, %dma_wait3A_582] : memref<16x50x64xf32, #tpu.memory_space<vmem>> -> memref<1x50x64xf32, #tpu.memory_space<vmem>>
      %dma_wait3A_584 = tpu.memref_squeeze %dma_wait3A_583 : memref<1x50x64xf32, #tpu.memory_space<vmem>> -> memref<50x64xf32, #tpu.memory_space<vmem>>
      %dma_wait3A_585 = arith.constant 0 : i32
      %dma_wait3A_586 = tpu.memref_slice %arg5[%dma_wait3A_579, %dma_wait3A_585] : memref<16x50xi32, #tpu.memory_space<vmem>> -> memref<1x50xi32, #tpu.memory_space<vmem>>
      %dma_wait3A_587 = tpu.memref_squeeze %dma_wait3A_586 : memref<1x50xi32, #tpu.memory_space<vmem>> -> memref<50xi32, #tpu.memory_space<vmem>>
      %dma_wait3A_588 = arith.constant 0 : i32
      %dma_wait3A_589 = arith.constant 0 : i32
      %dma_wait3A_590 = tpu.memref_slice %arg2[%dma_wait3A_588, %dma_wait3A_589] : memref<1000000x64xf32, #tpu.memory_space<hbm>> -> memref<1000000x64xf32, #tpu.memory_space<hbm>>
      tpu.wait_indirect_dma semaphore(%arg9 : memref<!tpu.dma_semaphore, #tpu.memory_space<semaphore_mem>>) src(%dma_wait3A_590 : memref<1000000x64xf32, #tpu.memory_space<hbm>>) dst(%dma_wait3A_584 : memref<50x64xf32, #tpu.memory_space<vmem>>)
      %dma_wait3A_591 = arith.constant 14 : i32
      %dma_wait3A_592 = arith.constant 14 : i32
      %dma_wait3A_593 = arith.constant 0 : i32
      %dma_wait3A_594 = arith.constant 0 : i32
      %dma_wait3A_595 = tpu.memref_slice %arg7[%dma_wait3A_592, %dma_wait3A_593, %dma_wait3A_594] : memref<16x50x64xf32, #tpu.memory_space<vmem>> -> memref<1x50x64xf32, #tpu.memory_space<vmem>>
      %dma_wait3A_596 = tpu.memref_squeeze %dma_wait3A_595 : memref<1x50x64xf32, #tpu.memory_space<vmem>> -> memref<50x64xf32, #tpu.memory_space<vmem>>
      %dma_wait3A_597 = arith.constant 0 : i32
      %dma_wait3A_598 = tpu.memref_slice %arg5[%dma_wait3A_591, %dma_wait3A_597] : memref<16x50xi32, #tpu.memory_space<vmem>> -> memref<1x50xi32, #tpu.memory_space<vmem>>
      %dma_wait3A_599 = tpu.memref_squeeze %dma_wait3A_598 : memref<1x50xi32, #tpu.memory_space<vmem>> -> memref<50xi32, #tpu.memory_space<vmem>>
      %dma_wait3A_600 = arith.constant 0 : i32
      %dma_wait3A_601 = arith.constant 0 : i32
      %dma_wait3A_602 = tpu.memref_slice %arg2[%dma_wait3A_600, %dma_wait3A_601] : memref<1000000x64xf32, #tpu.memory_space<hbm>> -> memref<1000000x64xf32, #tpu.memory_space<hbm>>
      tpu.wait_indirect_dma semaphore(%arg9 : memref<!tpu.dma_semaphore, #tpu.memory_space<semaphore_mem>>) src(%dma_wait3A_602 : memref<1000000x64xf32, #tpu.memory_space<hbm>>) dst(%dma_wait3A_596 : memref<50x64xf32, #tpu.memory_space<vmem>>)
      %dma_wait3A_603 = arith.constant 15 : i32
      %dma_wait3A_604 = arith.constant 15 : i32
      %dma_wait3A_605 = arith.constant 0 : i32
      %dma_wait3A_606 = arith.constant 0 : i32
      %dma_wait3A_607 = tpu.memref_slice %arg7[%dma_wait3A_604, %dma_wait3A_605, %dma_wait3A_606] : memref<16x50x64xf32, #tpu.memory_space<vmem>> -> memref<1x50x64xf32, #tpu.memory_space<vmem>>
      %dma_wait3A_608 = tpu.memref_squeeze %dma_wait3A_607 : memref<1x50x64xf32, #tpu.memory_space<vmem>> -> memref<50x64xf32, #tpu.memory_space<vmem>>
      %dma_wait3A_609 = arith.constant 0 : i32
      %dma_wait3A_610 = tpu.memref_slice %arg5[%dma_wait3A_603, %dma_wait3A_609] : memref<16x50xi32, #tpu.memory_space<vmem>> -> memref<1x50xi32, #tpu.memory_space<vmem>>
      %dma_wait3A_611 = tpu.memref_squeeze %dma_wait3A_610 : memref<1x50xi32, #tpu.memory_space<vmem>> -> memref<50xi32, #tpu.memory_space<vmem>>
      %dma_wait3A_612 = arith.constant 0 : i32
      %dma_wait3A_613 = arith.constant 0 : i32
      %dma_wait3A_614 = tpu.memref_slice %arg2[%dma_wait3A_612, %dma_wait3A_613] : memref<1000000x64xf32, #tpu.memory_space<hbm>> -> memref<1000000x64xf32, #tpu.memory_space<hbm>>
      tpu.wait_indirect_dma semaphore(%arg9 : memref<!tpu.dma_semaphore, #tpu.memory_space<semaphore_mem>>) src(%dma_wait3A_614 : memref<1000000x64xf32, #tpu.memory_space<hbm>>) dst(%dma_wait3A_608 : memref<50x64xf32, #tpu.memory_space<vmem>>)
      %add3A_615 = arith.constant 2 : i32
      %add3A_616 = arith.addi %mul3A_218, %add3A_615 : i32
      %lt3A = arith.constant 32 : i32
      %lt3A_617 = arith.cmpi slt, %add3A_616, %lt3A : i32
      %convert_element_type3A = arith.extui %lt3A_617 : i1 to i32
      %cond3A = arith.constant 0 : i32
      %cond3A_618 = arith.cmpi ne, %convert_element_type3A, %cond3A : i32
      scf.if %cond3A_618 {
        %add3A_830 = arith.constant 2 : i32
        %add3A_831 = arith.addi %mul3A_218, %add3A_830 : i32
        %mul3A_832 = arith.constant 16 : i32
        %mul3A_833 = arith.muli %add3A_831, %mul3A_832 : i32
        %add3A_834 = arith.addi %mul3A_2, %mul3A_833 : i32
        %dma_start3A_835 = arith.constant 0 : i32
        %dma_start3A_836 = tpu.memref_slice %arg3[%add3A_834, %dma_start3A_835] : memref<16384x50xi32, #tpu.memory_space<hbm>> -> memref<16x50xi32, #tpu.memory_space<hbm>>
        %dma_start3A_837 = arith.constant 0 : i32
        %dma_start3A_838 = tpu.memref_slice %arg3[%add3A_834, %dma_start3A_837] : memref<16384x50xi32, #tpu.memory_space<hbm>> -> memref<16x50xi32, #tpu.memory_space<hbm>>
        tpu.enqueue_dma source(%dma_start3A_838 : memref<16x50xi32, #tpu.memory_space<hbm>>) target(%arg5 : memref<16x50xi32, #tpu.memory_space<vmem>>) target_semaphore(%arg11 : memref<!tpu.dma_semaphore, #tpu.memory_space<semaphore_mem>>)
      } else {
      }
      "tpu.region"() ({
        %run_scoped3A = tpu.sem_alloc : memref<!tpu.dma_semaphore, #tpu.memory_space<semaphore_mem>>
        %dma_start3A_830 = arith.constant 0 : i32
        %dma_start3A_831 = arith.constant 0 : i32
        %dma_start3A_832 = tpu.memref_slice %arg4[%add3A_422, %dma_start3A_830, %dma_start3A_831] : memref<16384x56x128xf32, #tpu.memory_space<hbm>> -> memref<16x50x64xf32, #tpu.memory_space<hbm>>
        %dma_start3A_833 = arith.constant 0 : i32
        %dma_start3A_834 = arith.constant 0 : i32
        %dma_start3A_835 = tpu.memref_slice %arg4[%add3A_422, %dma_start3A_833, %dma_start3A_834] : memref<16384x56x128xf32, #tpu.memory_space<hbm>> -> memref<16x50x64xf32, #tpu.memory_space<hbm>>
        tpu.enqueue_dma source(%arg7 : memref<16x50x64xf32, #tpu.memory_space<vmem>>) target(%dma_start3A_835 : memref<16x50x64xf32, #tpu.memory_space<hbm>>) target_semaphore(%run_scoped3A : memref<!tpu.dma_semaphore, #tpu.memory_space<semaphore_mem>>)
        %dma_wait3A_836 = arith.constant 0 : i32
        %dma_wait3A_837 = arith.constant 0 : i32
        %dma_wait3A_838 = tpu.memref_slice %arg4[%add3A_422, %dma_wait3A_836, %dma_wait3A_837] : memref<16384x56x128xf32, #tpu.memory_space<hbm>> -> memref<16x50x64xf32, #tpu.memory_space<hbm>>
        %dma_wait3A_839 = arith.constant 0 : i32
        %dma_wait3A_840 = arith.constant 0 : i32
        %dma_wait3A_841 = tpu.memref_slice %arg4[%add3A_422, %dma_wait3A_839, %dma_wait3A_840] : memref<16384x56x128xf32, #tpu.memory_space<hbm>> -> memref<16x50x64xf32, #tpu.memory_space<hbm>>
        tpu.wait_dma2 semaphore(%run_scoped3A : memref<!tpu.dma_semaphore, #tpu.memory_space<semaphore_mem>>) src(%arg7 : memref<16x50x64xf32, #tpu.memory_space<vmem>>) dst(%dma_wait3A_841 : memref<16x50x64xf32, #tpu.memory_space<hbm>>)
        tpu.yield
      }) : () -> ()
      %add3A_619 = arith.constant 2 : i32
      %add3A_620 = arith.addi %mul3A_218, %add3A_619 : i32
      %lt3A_621 = arith.constant 32 : i32
      %lt3A_622 = arith.cmpi slt, %add3A_620, %lt3A_621 : i32
      %convert_element_type3A_623 = arith.extui %lt3A_622 : i1 to i32
      %cond3A_624 = arith.constant 0 : i32
      %cond3A_625 = arith.cmpi ne, %convert_element_type3A_623, %cond3A_624 : i32
      scf.if %cond3A_625 {
        %add3A_830 = arith.constant 2 : i32
        %add3A_831 = arith.addi %mul3A_218, %add3A_830 : i32
        %mul3A_832 = arith.constant 16 : i32
        %mul3A_833 = arith.muli %add3A_831, %mul3A_832 : i32
        %add3A_834 = arith.addi %mul3A_2, %mul3A_833 : i32
        %dma_wait3A_835 = arith.constant 0 : i32
        %dma_wait3A_836 = tpu.memref_slice %arg3[%add3A_834, %dma_wait3A_835] : memref<16384x50xi32, #tpu.memory_space<hbm>> -> memref<16x50xi32, #tpu.memory_space<hbm>>
        %dma_wait3A_837 = arith.constant 0 : i32
        %dma_wait3A_838 = tpu.memref_slice %arg3[%add3A_834, %dma_wait3A_837] : memref<16384x50xi32, #tpu.memory_space<hbm>> -> memref<16x50xi32, #tpu.memory_space<hbm>>
        tpu.wait_dma2 semaphore(%arg11 : memref<!tpu.dma_semaphore, #tpu.memory_space<semaphore_mem>>) src(%dma_wait3A_838 : memref<16x50xi32, #tpu.memory_space<hbm>>) dst(%arg5 : memref<16x50xi32, #tpu.memory_space<vmem>>)
        %dma_start3A_839 = arith.constant 0 : i32
        %dma_start3A_840 = arith.constant 0 : i32
        %dma_start3A_841 = arith.constant 0 : i32
        %dma_start3A_842 = arith.constant 0 : i32
        %dma_start3A_843 = tpu.memref_slice %arg7[%dma_start3A_840, %dma_start3A_841, %dma_start3A_842] : memref<16x50x64xf32, #tpu.memory_space<vmem>> -> memref<1x50x64xf32, #tpu.memory_space<vmem>>
        %dma_start3A_844 = tpu.memref_squeeze %dma_start3A_843 : memref<1x50x64xf32, #tpu.memory_space<vmem>> -> memref<50x64xf32, #tpu.memory_space<vmem>>
        %dma_start3A_845 = arith.constant 0 : i32
        %dma_start3A_846 = tpu.memref_slice %arg5[%dma_start3A_839, %dma_start3A_845] : memref<16x50xi32, #tpu.memory_space<vmem>> -> memref<1x50xi32, #tpu.memory_space<vmem>>
        %dma_start3A_847 = tpu.memref_squeeze %dma_start3A_846 : memref<1x50xi32, #tpu.memory_space<vmem>> -> memref<50xi32, #tpu.memory_space<vmem>>
        %dma_start3A_848 = arith.constant 0 : i32
        %dma_start3A_849 = arith.constant 0 : i32
        %dma_start3A_850 = tpu.memref_slice %arg2[%dma_start3A_848, %dma_start3A_849] : memref<1000000x64xf32, #tpu.memory_space<hbm>> -> memref<1000000x64xf32, #tpu.memory_space<hbm>>
        tpu.enqueue_indirect_dma source(%dma_start3A_850 : memref<1000000x64xf32, #tpu.memory_space<hbm>>) target(%dma_start3A_844 : memref<50x64xf32, #tpu.memory_space<vmem>>) offsets(%dma_start3A_847 : memref<50xi32, #tpu.memory_space<vmem>>) semaphore(%arg9 : memref<!tpu.dma_semaphore, #tpu.memory_space<semaphore_mem>>)
        %dma_start3A_851 = arith.constant 1 : i32
        %dma_start3A_852 = arith.constant 1 : i32
        %dma_start3A_853 = arith.constant 0 : i32
        %dma_start3A_854 = arith.constant 0 : i32
        %dma_start3A_855 = tpu.memref_slice %arg7[%dma_start3A_852, %dma_start3A_853, %dma_start3A_854] : memref<16x50x64xf32, #tpu.memory_space<vmem>> -> memref<1x50x64xf32, #tpu.memory_space<vmem>>
        %dma_start3A_856 = tpu.memref_squeeze %dma_start3A_855 : memref<1x50x64xf32, #tpu.memory_space<vmem>> -> memref<50x64xf32, #tpu.memory_space<vmem>>
        %dma_start3A_857 = arith.constant 0 : i32
        %dma_start3A_858 = tpu.memref_slice %arg5[%dma_start3A_851, %dma_start3A_857] : memref<16x50xi32, #tpu.memory_space<vmem>> -> memref<1x50xi32, #tpu.memory_space<vmem>>
        %dma_start3A_859 = tpu.memref_squeeze %dma_start3A_858 : memref<1x50xi32, #tpu.memory_space<vmem>> -> memref<50xi32, #tpu.memory_space<vmem>>
        %dma_start3A_860 = arith.constant 0 : i32
        %dma_start3A_861 = arith.constant 0 : i32
        %dma_start3A_862 = tpu.memref_slice %arg2[%dma_start3A_860, %dma_start3A_861] : memref<1000000x64xf32, #tpu.memory_space<hbm>> -> memref<1000000x64xf32, #tpu.memory_space<hbm>>
        tpu.enqueue_indirect_dma source(%dma_start3A_862 : memref<1000000x64xf32, #tpu.memory_space<hbm>>) target(%dma_start3A_856 : memref<50x64xf32, #tpu.memory_space<vmem>>) offsets(%dma_start3A_859 : memref<50xi32, #tpu.memory_space<vmem>>) semaphore(%arg9 : memref<!tpu.dma_semaphore, #tpu.memory_space<semaphore_mem>>)
        %dma_start3A_863 = arith.constant 2 : i32
        %dma_start3A_864 = arith.constant 2 : i32
        %dma_start3A_865 = arith.constant 0 : i32
        %dma_start3A_866 = arith.constant 0 : i32
        %dma_start3A_867 = tpu.memref_slice %arg7[%dma_start3A_864, %dma_start3A_865, %dma_start3A_866] : memref<16x50x64xf32, #tpu.memory_space<vmem>> -> memref<1x50x64xf32, #tpu.memory_space<vmem>>
        %dma_start3A_868 = tpu.memref_squeeze %dma_start3A_867 : memref<1x50x64xf32, #tpu.memory_space<vmem>> -> memref<50x64xf32, #tpu.memory_space<vmem>>
        %dma_start3A_869 = arith.constant 0 : i32
        %dma_start3A_870 = tpu.memref_slice %arg5[%dma_start3A_863, %dma_start3A_869] : memref<16x50xi32, #tpu.memory_space<vmem>> -> memref<1x50xi32, #tpu.memory_space<vmem>>
        %dma_start3A_871 = tpu.memref_squeeze %dma_start3A_870 : memref<1x50xi32, #tpu.memory_space<vmem>> -> memref<50xi32, #tpu.memory_space<vmem>>
        %dma_start3A_872 = arith.constant 0 : i32
        %dma_start3A_873 = arith.constant 0 : i32
        %dma_start3A_874 = tpu.memref_slice %arg2[%dma_start3A_872, %dma_start3A_873] : memref<1000000x64xf32, #tpu.memory_space<hbm>> -> memref<1000000x64xf32, #tpu.memory_space<hbm>>
        tpu.enqueue_indirect_dma source(%dma_start3A_874 : memref<1000000x64xf32, #tpu.memory_space<hbm>>) target(%dma_start3A_868 : memref<50x64xf32, #tpu.memory_space<vmem>>) offsets(%dma_start3A_871 : memref<50xi32, #tpu.memory_space<vmem>>) semaphore(%arg9 : memref<!tpu.dma_semaphore, #tpu.memory_space<semaphore_mem>>)
        %dma_start3A_875 = arith.constant 3 : i32
        %dma_start3A_876 = arith.constant 3 : i32
        %dma_start3A_877 = arith.constant 0 : i32
        %dma_start3A_878 = arith.constant 0 : i32
        %dma_start3A_879 = tpu.memref_slice %arg7[%dma_start3A_876, %dma_start3A_877, %dma_start3A_878] : memref<16x50x64xf32, #tpu.memory_space<vmem>> -> memref<1x50x64xf32, #tpu.memory_space<vmem>>
        %dma_start3A_880 = tpu.memref_squeeze %dma_start3A_879 : memref<1x50x64xf32, #tpu.memory_space<vmem>> -> memref<50x64xf32, #tpu.memory_space<vmem>>
        %dma_start3A_881 = arith.constant 0 : i32
        %dma_start3A_882 = tpu.memref_slice %arg5[%dma_start3A_875, %dma_start3A_881] : memref<16x50xi32, #tpu.memory_space<vmem>> -> memref<1x50xi32, #tpu.memory_space<vmem>>
        %dma_start3A_883 = tpu.memref_squeeze %dma_start3A_882 : memref<1x50xi32, #tpu.memory_space<vmem>> -> memref<50xi32, #tpu.memory_space<vmem>>
        %dma_start3A_884 = arith.constant 0 : i32
        %dma_start3A_885 = arith.constant 0 : i32
        %dma_start3A_886 = tpu.memref_slice %arg2[%dma_start3A_884, %dma_start3A_885] : memref<1000000x64xf32, #tpu.memory_space<hbm>> -> memref<1000000x64xf32, #tpu.memory_space<hbm>>
        tpu.enqueue_indirect_dma source(%dma_start3A_886 : memref<1000000x64xf32, #tpu.memory_space<hbm>>) target(%dma_start3A_880 : memref<50x64xf32, #tpu.memory_space<vmem>>) offsets(%dma_start3A_883 : memref<50xi32, #tpu.memory_space<vmem>>) semaphore(%arg9 : memref<!tpu.dma_semaphore, #tpu.memory_space<semaphore_mem>>)
        %dma_start3A_887 = arith.constant 4 : i32
        %dma_start3A_888 = arith.constant 4 : i32
        %dma_start3A_889 = arith.constant 0 : i32
        %dma_start3A_890 = arith.constant 0 : i32
        %dma_start3A_891 = tpu.memref_slice %arg7[%dma_start3A_888, %dma_start3A_889, %dma_start3A_890] : memref<16x50x64xf32, #tpu.memory_space<vmem>> -> memref<1x50x64xf32, #tpu.memory_space<vmem>>
        %dma_start3A_892 = tpu.memref_squeeze %dma_start3A_891 : memref<1x50x64xf32, #tpu.memory_space<vmem>> -> memref<50x64xf32, #tpu.memory_space<vmem>>
        %dma_start3A_893 = arith.constant 0 : i32
        %dma_start3A_894 = tpu.memref_slice %arg5[%dma_start3A_887, %dma_start3A_893] : memref<16x50xi32, #tpu.memory_space<vmem>> -> memref<1x50xi32, #tpu.memory_space<vmem>>
        %dma_start3A_895 = tpu.memref_squeeze %dma_start3A_894 : memref<1x50xi32, #tpu.memory_space<vmem>> -> memref<50xi32, #tpu.memory_space<vmem>>
        %dma_start3A_896 = arith.constant 0 : i32
        %dma_start3A_897 = arith.constant 0 : i32
        %dma_start3A_898 = tpu.memref_slice %arg2[%dma_start3A_896, %dma_start3A_897] : memref<1000000x64xf32, #tpu.memory_space<hbm>> -> memref<1000000x64xf32, #tpu.memory_space<hbm>>
        tpu.enqueue_indirect_dma source(%dma_start3A_898 : memref<1000000x64xf32, #tpu.memory_space<hbm>>) target(%dma_start3A_892 : memref<50x64xf32, #tpu.memory_space<vmem>>) offsets(%dma_start3A_895 : memref<50xi32, #tpu.memory_space<vmem>>) semaphore(%arg9 : memref<!tpu.dma_semaphore, #tpu.memory_space<semaphore_mem>>)
        %dma_start3A_899 = arith.constant 5 : i32
        %dma_start3A_900 = arith.constant 5 : i32
        %dma_start3A_901 = arith.constant 0 : i32
        %dma_start3A_902 = arith.constant 0 : i32
        %dma_start3A_903 = tpu.memref_slice %arg7[%dma_start3A_900, %dma_start3A_901, %dma_start3A_902] : memref<16x50x64xf32, #tpu.memory_space<vmem>> -> memref<1x50x64xf32, #tpu.memory_space<vmem>>
        %dma_start3A_904 = tpu.memref_squeeze %dma_start3A_903 : memref<1x50x64xf32, #tpu.memory_space<vmem>> -> memref<50x64xf32, #tpu.memory_space<vmem>>
        %dma_start3A_905 = arith.constant 0 : i32
        %dma_start3A_906 = tpu.memref_slice %arg5[%dma_start3A_899, %dma_start3A_905] : memref<16x50xi32, #tpu.memory_space<vmem>> -> memref<1x50xi32, #tpu.memory_space<vmem>>
        %dma_start3A_907 = tpu.memref_squeeze %dma_start3A_906 : memref<1x50xi32, #tpu.memory_space<vmem>> -> memref<50xi32, #tpu.memory_space<vmem>>
        %dma_start3A_908 = arith.constant 0 : i32
        %dma_start3A_909 = arith.constant 0 : i32
        %dma_start3A_910 = tpu.memref_slice %arg2[%dma_start3A_908, %dma_start3A_909] : memref<1000000x64xf32, #tpu.memory_space<hbm>> -> memref<1000000x64xf32, #tpu.memory_space<hbm>>
        tpu.enqueue_indirect_dma source(%dma_start3A_910 : memref<1000000x64xf32, #tpu.memory_space<hbm>>) target(%dma_start3A_904 : memref<50x64xf32, #tpu.memory_space<vmem>>) offsets(%dma_start3A_907 : memref<50xi32, #tpu.memory_space<vmem>>) semaphore(%arg9 : memref<!tpu.dma_semaphore, #tpu.memory_space<semaphore_mem>>)
        %dma_start3A_911 = arith.constant 6 : i32
        %dma_start3A_912 = arith.constant 6 : i32
        %dma_start3A_913 = arith.constant 0 : i32
        %dma_start3A_914 = arith.constant 0 : i32
        %dma_start3A_915 = tpu.memref_slice %arg7[%dma_start3A_912, %dma_start3A_913, %dma_start3A_914] : memref<16x50x64xf32, #tpu.memory_space<vmem>> -> memref<1x50x64xf32, #tpu.memory_space<vmem>>
        %dma_start3A_916 = tpu.memref_squeeze %dma_start3A_915 : memref<1x50x64xf32, #tpu.memory_space<vmem>> -> memref<50x64xf32, #tpu.memory_space<vmem>>
        %dma_start3A_917 = arith.constant 0 : i32
        %dma_start3A_918 = tpu.memref_slice %arg5[%dma_start3A_911, %dma_start3A_917] : memref<16x50xi32, #tpu.memory_space<vmem>> -> memref<1x50xi32, #tpu.memory_space<vmem>>
        %dma_start3A_919 = tpu.memref_squeeze %dma_start3A_918 : memref<1x50xi32, #tpu.memory_space<vmem>> -> memref<50xi32, #tpu.memory_space<vmem>>
        %dma_start3A_920 = arith.constant 0 : i32
        %dma_start3A_921 = arith.constant 0 : i32
        %dma_start3A_922 = tpu.memref_slice %arg2[%dma_start3A_920, %dma_start3A_921] : memref<1000000x64xf32, #tpu.memory_space<hbm>> -> memref<1000000x64xf32, #tpu.memory_space<hbm>>
        tpu.enqueue_indirect_dma source(%dma_start3A_922 : memref<1000000x64xf32, #tpu.memory_space<hbm>>) target(%dma_start3A_916 : memref<50x64xf32, #tpu.memory_space<vmem>>) offsets(%dma_start3A_919 : memref<50xi32, #tpu.memory_space<vmem>>) semaphore(%arg9 : memref<!tpu.dma_semaphore, #tpu.memory_space<semaphore_mem>>)
        %dma_start3A_923 = arith.constant 7 : i32
        %dma_start3A_924 = arith.constant 7 : i32
        %dma_start3A_925 = arith.constant 0 : i32
        %dma_start3A_926 = arith.constant 0 : i32
        %dma_start3A_927 = tpu.memref_slice %arg7[%dma_start3A_924, %dma_start3A_925, %dma_start3A_926] : memref<16x50x64xf32, #tpu.memory_space<vmem>> -> memref<1x50x64xf32, #tpu.memory_space<vmem>>
        %dma_start3A_928 = tpu.memref_squeeze %dma_start3A_927 : memref<1x50x64xf32, #tpu.memory_space<vmem>> -> memref<50x64xf32, #tpu.memory_space<vmem>>
        %dma_start3A_929 = arith.constant 0 : i32
        %dma_start3A_930 = tpu.memref_slice %arg5[%dma_start3A_923, %dma_start3A_929] : memref<16x50xi32, #tpu.memory_space<vmem>> -> memref<1x50xi32, #tpu.memory_space<vmem>>
        %dma_start3A_931 = tpu.memref_squeeze %dma_start3A_930 : memref<1x50xi32, #tpu.memory_space<vmem>> -> memref<50xi32, #tpu.memory_space<vmem>>
        %dma_start3A_932 = arith.constant 0 : i32
        %dma_start3A_933 = arith.constant 0 : i32
        %dma_start3A_934 = tpu.memref_slice %arg2[%dma_start3A_932, %dma_start3A_933] : memref<1000000x64xf32, #tpu.memory_space<hbm>> -> memref<1000000x64xf32, #tpu.memory_space<hbm>>
        tpu.enqueue_indirect_dma source(%dma_start3A_934 : memref<1000000x64xf32, #tpu.memory_space<hbm>>) target(%dma_start3A_928 : memref<50x64xf32, #tpu.memory_space<vmem>>) offsets(%dma_start3A_931 : memref<50xi32, #tpu.memory_space<vmem>>) semaphore(%arg9 : memref<!tpu.dma_semaphore, #tpu.memory_space<semaphore_mem>>)
        %dma_start3A_935 = arith.constant 8 : i32
        %dma_start3A_936 = arith.constant 8 : i32
        %dma_start3A_937 = arith.constant 0 : i32
        %dma_start3A_938 = arith.constant 0 : i32
        %dma_start3A_939 = tpu.memref_slice %arg7[%dma_start3A_936, %dma_start3A_937, %dma_start3A_938] : memref<16x50x64xf32, #tpu.memory_space<vmem>> -> memref<1x50x64xf32, #tpu.memory_space<vmem>>
        %dma_start3A_940 = tpu.memref_squeeze %dma_start3A_939 : memref<1x50x64xf32, #tpu.memory_space<vmem>> -> memref<50x64xf32, #tpu.memory_space<vmem>>
        %dma_start3A_941 = arith.constant 0 : i32
        %dma_start3A_942 = tpu.memref_slice %arg5[%dma_start3A_935, %dma_start3A_941] : memref<16x50xi32, #tpu.memory_space<vmem>> -> memref<1x50xi32, #tpu.memory_space<vmem>>
        %dma_start3A_943 = tpu.memref_squeeze %dma_start3A_942 : memref<1x50xi32, #tpu.memory_space<vmem>> -> memref<50xi32, #tpu.memory_space<vmem>>
        %dma_start3A_944 = arith.constant 0 : i32
        %dma_start3A_945 = arith.constant 0 : i32
        %dma_start3A_946 = tpu.memref_slice %arg2[%dma_start3A_944, %dma_start3A_945] : memref<1000000x64xf32, #tpu.memory_space<hbm>> -> memref<1000000x64xf32, #tpu.memory_space<hbm>>
        tpu.enqueue_indirect_dma source(%dma_start3A_946 : memref<1000000x64xf32, #tpu.memory_space<hbm>>) target(%dma_start3A_940 : memref<50x64xf32, #tpu.memory_space<vmem>>) offsets(%dma_start3A_943 : memref<50xi32, #tpu.memory_space<vmem>>) semaphore(%arg9 : memref<!tpu.dma_semaphore, #tpu.memory_space<semaphore_mem>>)
        %dma_start3A_947 = arith.constant 9 : i32
        %dma_start3A_948 = arith.constant 9 : i32
        %dma_start3A_949 = arith.constant 0 : i32
        %dma_start3A_950 = arith.constant 0 : i32
        %dma_start3A_951 = tpu.memref_slice %arg7[%dma_start3A_948, %dma_start3A_949, %dma_start3A_950] : memref<16x50x64xf32, #tpu.memory_space<vmem>> -> memref<1x50x64xf32, #tpu.memory_space<vmem>>
        %dma_start3A_952 = tpu.memref_squeeze %dma_start3A_951 : memref<1x50x64xf32, #tpu.memory_space<vmem>> -> memref<50x64xf32, #tpu.memory_space<vmem>>
        %dma_start3A_953 = arith.constant 0 : i32
        %dma_start3A_954 = tpu.memref_slice %arg5[%dma_start3A_947, %dma_start3A_953] : memref<16x50xi32, #tpu.memory_space<vmem>> -> memref<1x50xi32, #tpu.memory_space<vmem>>
        %dma_start3A_955 = tpu.memref_squeeze %dma_start3A_954 : memref<1x50xi32, #tpu.memory_space<vmem>> -> memref<50xi32, #tpu.memory_space<vmem>>
        %dma_start3A_956 = arith.constant 0 : i32
        %dma_start3A_957 = arith.constant 0 : i32
        %dma_start3A_958 = tpu.memref_slice %arg2[%dma_start3A_956, %dma_start3A_957] : memref<1000000x64xf32, #tpu.memory_space<hbm>> -> memref<1000000x64xf32, #tpu.memory_space<hbm>>
        tpu.enqueue_indirect_dma source(%dma_start3A_958 : memref<1000000x64xf32, #tpu.memory_space<hbm>>) target(%dma_start3A_952 : memref<50x64xf32, #tpu.memory_space<vmem>>) offsets(%dma_start3A_955 : memref<50xi32, #tpu.memory_space<vmem>>) semaphore(%arg9 : memref<!tpu.dma_semaphore, #tpu.memory_space<semaphore_mem>>)
        %dma_start3A_959 = arith.constant 10 : i32
        %dma_start3A_960 = arith.constant 10 : i32
        %dma_start3A_961 = arith.constant 0 : i32
        %dma_start3A_962 = arith.constant 0 : i32
        %dma_start3A_963 = tpu.memref_slice %arg7[%dma_start3A_960, %dma_start3A_961, %dma_start3A_962] : memref<16x50x64xf32, #tpu.memory_space<vmem>> -> memref<1x50x64xf32, #tpu.memory_space<vmem>>
        %dma_start3A_964 = tpu.memref_squeeze %dma_start3A_963 : memref<1x50x64xf32, #tpu.memory_space<vmem>> -> memref<50x64xf32, #tpu.memory_space<vmem>>
        %dma_start3A_965 = arith.constant 0 : i32
        %dma_start3A_966 = tpu.memref_slice %arg5[%dma_start3A_959, %dma_start3A_965] : memref<16x50xi32, #tpu.memory_space<vmem>> -> memref<1x50xi32, #tpu.memory_space<vmem>>
        %dma_start3A_967 = tpu.memref_squeeze %dma_start3A_966 : memref<1x50xi32, #tpu.memory_space<vmem>> -> memref<50xi32, #tpu.memory_space<vmem>>
        %dma_start3A_968 = arith.constant 0 : i32
        %dma_start3A_969 = arith.constant 0 : i32
        %dma_start3A_970 = tpu.memref_slice %arg2[%dma_start3A_968, %dma_start3A_969] : memref<1000000x64xf32, #tpu.memory_space<hbm>> -> memref<1000000x64xf32, #tpu.memory_space<hbm>>
        tpu.enqueue_indirect_dma source(%dma_start3A_970 : memref<1000000x64xf32, #tpu.memory_space<hbm>>) target(%dma_start3A_964 : memref<50x64xf32, #tpu.memory_space<vmem>>) offsets(%dma_start3A_967 : memref<50xi32, #tpu.memory_space<vmem>>) semaphore(%arg9 : memref<!tpu.dma_semaphore, #tpu.memory_space<semaphore_mem>>)
        %dma_start3A_971 = arith.constant 11 : i32
        %dma_start3A_972 = arith.constant 11 : i32
        %dma_start3A_973 = arith.constant 0 : i32
        %dma_start3A_974 = arith.constant 0 : i32
        %dma_start3A_975 = tpu.memref_slice %arg7[%dma_start3A_972, %dma_start3A_973, %dma_start3A_974] : memref<16x50x64xf32, #tpu.memory_space<vmem>> -> memref<1x50x64xf32, #tpu.memory_space<vmem>>
        %dma_start3A_976 = tpu.memref_squeeze %dma_start3A_975 : memref<1x50x64xf32, #tpu.memory_space<vmem>> -> memref<50x64xf32, #tpu.memory_space<vmem>>
        %dma_start3A_977 = arith.constant 0 : i32
        %dma_start3A_978 = tpu.memref_slice %arg5[%dma_start3A_971, %dma_start3A_977] : memref<16x50xi32, #tpu.memory_space<vmem>> -> memref<1x50xi32, #tpu.memory_space<vmem>>
        %dma_start3A_979 = tpu.memref_squeeze %dma_start3A_978 : memref<1x50xi32, #tpu.memory_space<vmem>> -> memref<50xi32, #tpu.memory_space<vmem>>
        %dma_start3A_980 = arith.constant 0 : i32
        %dma_start3A_981 = arith.constant 0 : i32
        %dma_start3A_982 = tpu.memref_slice %arg2[%dma_start3A_980, %dma_start3A_981] : memref<1000000x64xf32, #tpu.memory_space<hbm>> -> memref<1000000x64xf32, #tpu.memory_space<hbm>>
        tpu.enqueue_indirect_dma source(%dma_start3A_982 : memref<1000000x64xf32, #tpu.memory_space<hbm>>) target(%dma_start3A_976 : memref<50x64xf32, #tpu.memory_space<vmem>>) offsets(%dma_start3A_979 : memref<50xi32, #tpu.memory_space<vmem>>) semaphore(%arg9 : memref<!tpu.dma_semaphore, #tpu.memory_space<semaphore_mem>>)
        %dma_start3A_983 = arith.constant 12 : i32
        %dma_start3A_984 = arith.constant 12 : i32
        %dma_start3A_985 = arith.constant 0 : i32
        %dma_start3A_986 = arith.constant 0 : i32
        %dma_start3A_987 = tpu.memref_slice %arg7[%dma_start3A_984, %dma_start3A_985, %dma_start3A_986] : memref<16x50x64xf32, #tpu.memory_space<vmem>> -> memref<1x50x64xf32, #tpu.memory_space<vmem>>
        %dma_start3A_988 = tpu.memref_squeeze %dma_start3A_987 : memref<1x50x64xf32, #tpu.memory_space<vmem>> -> memref<50x64xf32, #tpu.memory_space<vmem>>
        %dma_start3A_989 = arith.constant 0 : i32
        %dma_start3A_990 = tpu.memref_slice %arg5[%dma_start3A_983, %dma_start3A_989] : memref<16x50xi32, #tpu.memory_space<vmem>> -> memref<1x50xi32, #tpu.memory_space<vmem>>
        %dma_start3A_991 = tpu.memref_squeeze %dma_start3A_990 : memref<1x50xi32, #tpu.memory_space<vmem>> -> memref<50xi32, #tpu.memory_space<vmem>>
        %dma_start3A_992 = arith.constant 0 : i32
        %dma_start3A_993 = arith.constant 0 : i32
        %dma_start3A_994 = tpu.memref_slice %arg2[%dma_start3A_992, %dma_start3A_993] : memref<1000000x64xf32, #tpu.memory_space<hbm>> -> memref<1000000x64xf32, #tpu.memory_space<hbm>>
        tpu.enqueue_indirect_dma source(%dma_start3A_994 : memref<1000000x64xf32, #tpu.memory_space<hbm>>) target(%dma_start3A_988 : memref<50x64xf32, #tpu.memory_space<vmem>>) offsets(%dma_start3A_991 : memref<50xi32, #tpu.memory_space<vmem>>) semaphore(%arg9 : memref<!tpu.dma_semaphore, #tpu.memory_space<semaphore_mem>>)
        %dma_start3A_995 = arith.constant 13 : i32
        %dma_start3A_996 = arith.constant 13 : i32
        %dma_start3A_997 = arith.constant 0 : i32
        %dma_start3A_998 = arith.constant 0 : i32
        %dma_start3A_999 = tpu.memref_slice %arg7[%dma_start3A_996, %dma_start3A_997, %dma_start3A_998] : memref<16x50x64xf32, #tpu.memory_space<vmem>> -> memref<1x50x64xf32, #tpu.memory_space<vmem>>
        %dma_start3A_1000 = tpu.memref_squeeze %dma_start3A_999 : memref<1x50x64xf32, #tpu.memory_space<vmem>> -> memref<50x64xf32, #tpu.memory_space<vmem>>
        %dma_start3A_1001 = arith.constant 0 : i32
        %dma_start3A_1002 = tpu.memref_slice %arg5[%dma_start3A_995, %dma_start3A_1001] : memref<16x50xi32, #tpu.memory_space<vmem>> -> memref<1x50xi32, #tpu.memory_space<vmem>>
        %dma_start3A_1003 = tpu.memref_squeeze %dma_start3A_1002 : memref<1x50xi32, #tpu.memory_space<vmem>> -> memref<50xi32, #tpu.memory_space<vmem>>
        %dma_start3A_1004 = arith.constant 0 : i32
        %dma_start3A_1005 = arith.constant 0 : i32
        %dma_start3A_1006 = tpu.memref_slice %arg2[%dma_start3A_1004, %dma_start3A_1005] : memref<1000000x64xf32, #tpu.memory_space<hbm>> -> memref<1000000x64xf32, #tpu.memory_space<hbm>>
        tpu.enqueue_indirect_dma source(%dma_start3A_1006 : memref<1000000x64xf32, #tpu.memory_space<hbm>>) target(%dma_start3A_1000 : memref<50x64xf32, #tpu.memory_space<vmem>>) offsets(%dma_start3A_1003 : memref<50xi32, #tpu.memory_space<vmem>>) semaphore(%arg9 : memref<!tpu.dma_semaphore, #tpu.memory_space<semaphore_mem>>)
        %dma_start3A_1007 = arith.constant 14 : i32
        %dma_start3A_1008 = arith.constant 14 : i32
        %dma_start3A_1009 = arith.constant 0 : i32
        %dma_start3A_1010 = arith.constant 0 : i32
        %dma_start3A_1011 = tpu.memref_slice %arg7[%dma_start3A_1008, %dma_start3A_1009, %dma_start3A_1010] : memref<16x50x64xf32, #tpu.memory_space<vmem>> -> memref<1x50x64xf32, #tpu.memory_space<vmem>>
        %dma_start3A_1012 = tpu.memref_squeeze %dma_start3A_1011 : memref<1x50x64xf32, #tpu.memory_space<vmem>> -> memref<50x64xf32, #tpu.memory_space<vmem>>
        %dma_start3A_1013 = arith.constant 0 : i32
        %dma_start3A_1014 = tpu.memref_slice %arg5[%dma_start3A_1007, %dma_start3A_1013] : memref<16x50xi32, #tpu.memory_space<vmem>> -> memref<1x50xi32, #tpu.memory_space<vmem>>
        %dma_start3A_1015 = tpu.memref_squeeze %dma_start3A_1014 : memref<1x50xi32, #tpu.memory_space<vmem>> -> memref<50xi32, #tpu.memory_space<vmem>>
        %dma_start3A_1016 = arith.constant 0 : i32
        %dma_start3A_1017 = arith.constant 0 : i32
        %dma_start3A_1018 = tpu.memref_slice %arg2[%dma_start3A_1016, %dma_start3A_1017] : memref<1000000x64xf32, #tpu.memory_space<hbm>> -> memref<1000000x64xf32, #tpu.memory_space<hbm>>
        tpu.enqueue_indirect_dma source(%dma_start3A_1018 : memref<1000000x64xf32, #tpu.memory_space<hbm>>) target(%dma_start3A_1012 : memref<50x64xf32, #tpu.memory_space<vmem>>) offsets(%dma_start3A_1015 : memref<50xi32, #tpu.memory_space<vmem>>) semaphore(%arg9 : memref<!tpu.dma_semaphore, #tpu.memory_space<semaphore_mem>>)
        %dma_start3A_1019 = arith.constant 15 : i32
        %dma_start3A_1020 = arith.constant 15 : i32
        %dma_start3A_1021 = arith.constant 0 : i32
        %dma_start3A_1022 = arith.constant 0 : i32
        %dma_start3A_1023 = tpu.memref_slice %arg7[%dma_start3A_1020, %dma_start3A_1021, %dma_start3A_1022] : memref<16x50x64xf32, #tpu.memory_space<vmem>> -> memref<1x50x64xf32, #tpu.memory_space<vmem>>
        %dma_start3A_1024 = tpu.memref_squeeze %dma_start3A_1023 : memref<1x50x64xf32, #tpu.memory_space<vmem>> -> memref<50x64xf32, #tpu.memory_space<vmem>>
        %dma_start3A_1025 = arith.constant 0 : i32
        %dma_start3A_1026 = tpu.memref_slice %arg5[%dma_start3A_1019, %dma_start3A_1025] : memref<16x50xi32, #tpu.memory_space<vmem>> -> memref<1x50xi32, #tpu.memory_space<vmem>>
        %dma_start3A_1027 = tpu.memref_squeeze %dma_start3A_1026 : memref<1x50xi32, #tpu.memory_space<vmem>> -> memref<50xi32, #tpu.memory_space<vmem>>
        %dma_start3A_1028 = arith.constant 0 : i32
        %dma_start3A_1029 = arith.constant 0 : i32
        %dma_start3A_1030 = tpu.memref_slice %arg2[%dma_start3A_1028, %dma_start3A_1029] : memref<1000000x64xf32, #tpu.memory_space<hbm>> -> memref<1000000x64xf32, #tpu.memory_space<hbm>>
        tpu.enqueue_indirect_dma source(%dma_start3A_1030 : memref<1000000x64xf32, #tpu.memory_space<hbm>>) target(%dma_start3A_1024 : memref<50x64xf32, #tpu.memory_space<vmem>>) offsets(%dma_start3A_1027 : memref<50xi32, #tpu.memory_space<vmem>>) semaphore(%arg9 : memref<!tpu.dma_semaphore, #tpu.memory_space<semaphore_mem>>)
      } else {
      }
      %add3A_626 = arith.constant 1 : i32
      %add3A_627 = arith.addi %mul3A_218, %add3A_626 : i32
      %mul3A_628 = arith.constant 16 : i32
      %mul3A_629 = arith.muli %add3A_627, %mul3A_628 : i32
      %add3A_630 = arith.addi %mul3A_2, %mul3A_629 : i32
      %dma_wait3A_631 = arith.constant 0 : i32
      %dma_wait3A_632 = arith.constant 0 : i32
      %dma_wait3A_633 = arith.constant 0 : i32
      %dma_wait3A_634 = arith.constant 0 : i32
      %dma_wait3A_635 = tpu.memref_slice %arg8[%dma_wait3A_632, %dma_wait3A_633, %dma_wait3A_634] : memref<16x50x64xf32, #tpu.memory_space<vmem>> -> memref<1x50x64xf32, #tpu.memory_space<vmem>>
      %dma_wait3A_636 = tpu.memref_squeeze %dma_wait3A_635 : memref<1x50x64xf32, #tpu.memory_space<vmem>> -> memref<50x64xf32, #tpu.memory_space<vmem>>
      %dma_wait3A_637 = arith.constant 0 : i32
      %dma_wait3A_638 = tpu.memref_slice %arg6[%dma_wait3A_631, %dma_wait3A_637] : memref<16x50xi32, #tpu.memory_space<vmem>> -> memref<1x50xi32, #tpu.memory_space<vmem>>
      %dma_wait3A_639 = tpu.memref_squeeze %dma_wait3A_638 : memref<1x50xi32, #tpu.memory_space<vmem>> -> memref<50xi32, #tpu.memory_space<vmem>>
      %dma_wait3A_640 = arith.constant 0 : i32
      %dma_wait3A_641 = arith.constant 0 : i32
      %dma_wait3A_642 = tpu.memref_slice %arg2[%dma_wait3A_640, %dma_wait3A_641] : memref<1000000x64xf32, #tpu.memory_space<hbm>> -> memref<1000000x64xf32, #tpu.memory_space<hbm>>
      tpu.wait_indirect_dma semaphore(%arg10 : memref<!tpu.dma_semaphore, #tpu.memory_space<semaphore_mem>>) src(%dma_wait3A_642 : memref<1000000x64xf32, #tpu.memory_space<hbm>>) dst(%dma_wait3A_636 : memref<50x64xf32, #tpu.memory_space<vmem>>)
      %dma_wait3A_643 = arith.constant 1 : i32
      %dma_wait3A_644 = arith.constant 1 : i32
      %dma_wait3A_645 = arith.constant 0 : i32
      %dma_wait3A_646 = arith.constant 0 : i32
      %dma_wait3A_647 = tpu.memref_slice %arg8[%dma_wait3A_644, %dma_wait3A_645, %dma_wait3A_646] : memref<16x50x64xf32, #tpu.memory_space<vmem>> -> memref<1x50x64xf32, #tpu.memory_space<vmem>>
      %dma_wait3A_648 = tpu.memref_squeeze %dma_wait3A_647 : memref<1x50x64xf32, #tpu.memory_space<vmem>> -> memref<50x64xf32, #tpu.memory_space<vmem>>
      %dma_wait3A_649 = arith.constant 0 : i32
      %dma_wait3A_650 = tpu.memref_slice %arg6[%dma_wait3A_643, %dma_wait3A_649] : memref<16x50xi32, #tpu.memory_space<vmem>> -> memref<1x50xi32, #tpu.memory_space<vmem>>
      %dma_wait3A_651 = tpu.memref_squeeze %dma_wait3A_650 : memref<1x50xi32, #tpu.memory_space<vmem>> -> memref<50xi32, #tpu.memory_space<vmem>>
      %dma_wait3A_652 = arith.constant 0 : i32
      %dma_wait3A_653 = arith.constant 0 : i32
      %dma_wait3A_654 = tpu.memref_slice %arg2[%dma_wait3A_652, %dma_wait3A_653] : memref<1000000x64xf32, #tpu.memory_space<hbm>> -> memref<1000000x64xf32, #tpu.memory_space<hbm>>
      tpu.wait_indirect_dma semaphore(%arg10 : memref<!tpu.dma_semaphore, #tpu.memory_space<semaphore_mem>>) src(%dma_wait3A_654 : memref<1000000x64xf32, #tpu.memory_space<hbm>>) dst(%dma_wait3A_648 : memref<50x64xf32, #tpu.memory_space<vmem>>)
      %dma_wait3A_655 = arith.constant 2 : i32
      %dma_wait3A_656 = arith.constant 2 : i32
      %dma_wait3A_657 = arith.constant 0 : i32
      %dma_wait3A_658 = arith.constant 0 : i32
      %dma_wait3A_659 = tpu.memref_slice %arg8[%dma_wait3A_656, %dma_wait3A_657, %dma_wait3A_658] : memref<16x50x64xf32, #tpu.memory_space<vmem>> -> memref<1x50x64xf32, #tpu.memory_space<vmem>>
      %dma_wait3A_660 = tpu.memref_squeeze %dma_wait3A_659 : memref<1x50x64xf32, #tpu.memory_space<vmem>> -> memref<50x64xf32, #tpu.memory_space<vmem>>
      %dma_wait3A_661 = arith.constant 0 : i32
      %dma_wait3A_662 = tpu.memref_slice %arg6[%dma_wait3A_655, %dma_wait3A_661] : memref<16x50xi32, #tpu.memory_space<vmem>> -> memref<1x50xi32, #tpu.memory_space<vmem>>
      %dma_wait3A_663 = tpu.memref_squeeze %dma_wait3A_662 : memref<1x50xi32, #tpu.memory_space<vmem>> -> memref<50xi32, #tpu.memory_space<vmem>>
      %dma_wait3A_664 = arith.constant 0 : i32
      %dma_wait3A_665 = arith.constant 0 : i32
      %dma_wait3A_666 = tpu.memref_slice %arg2[%dma_wait3A_664, %dma_wait3A_665] : memref<1000000x64xf32, #tpu.memory_space<hbm>> -> memref<1000000x64xf32, #tpu.memory_space<hbm>>
      tpu.wait_indirect_dma semaphore(%arg10 : memref<!tpu.dma_semaphore, #tpu.memory_space<semaphore_mem>>) src(%dma_wait3A_666 : memref<1000000x64xf32, #tpu.memory_space<hbm>>) dst(%dma_wait3A_660 : memref<50x64xf32, #tpu.memory_space<vmem>>)
      %dma_wait3A_667 = arith.constant 3 : i32
      %dma_wait3A_668 = arith.constant 3 : i32
      %dma_wait3A_669 = arith.constant 0 : i32
      %dma_wait3A_670 = arith.constant 0 : i32
      %dma_wait3A_671 = tpu.memref_slice %arg8[%dma_wait3A_668, %dma_wait3A_669, %dma_wait3A_670] : memref<16x50x64xf32, #tpu.memory_space<vmem>> -> memref<1x50x64xf32, #tpu.memory_space<vmem>>
      %dma_wait3A_672 = tpu.memref_squeeze %dma_wait3A_671 : memref<1x50x64xf32, #tpu.memory_space<vmem>> -> memref<50x64xf32, #tpu.memory_space<vmem>>
      %dma_wait3A_673 = arith.constant 0 : i32
      %dma_wait3A_674 = tpu.memref_slice %arg6[%dma_wait3A_667, %dma_wait3A_673] : memref<16x50xi32, #tpu.memory_space<vmem>> -> memref<1x50xi32, #tpu.memory_space<vmem>>
      %dma_wait3A_675 = tpu.memref_squeeze %dma_wait3A_674 : memref<1x50xi32, #tpu.memory_space<vmem>> -> memref<50xi32, #tpu.memory_space<vmem>>
      %dma_wait3A_676 = arith.constant 0 : i32
      %dma_wait3A_677 = arith.constant 0 : i32
      %dma_wait3A_678 = tpu.memref_slice %arg2[%dma_wait3A_676, %dma_wait3A_677] : memref<1000000x64xf32, #tpu.memory_space<hbm>> -> memref<1000000x64xf32, #tpu.memory_space<hbm>>
      tpu.wait_indirect_dma semaphore(%arg10 : memref<!tpu.dma_semaphore, #tpu.memory_space<semaphore_mem>>) src(%dma_wait3A_678 : memref<1000000x64xf32, #tpu.memory_space<hbm>>) dst(%dma_wait3A_672 : memref<50x64xf32, #tpu.memory_space<vmem>>)
      %dma_wait3A_679 = arith.constant 4 : i32
      %dma_wait3A_680 = arith.constant 4 : i32
      %dma_wait3A_681 = arith.constant 0 : i32
      %dma_wait3A_682 = arith.constant 0 : i32
      %dma_wait3A_683 = tpu.memref_slice %arg8[%dma_wait3A_680, %dma_wait3A_681, %dma_wait3A_682] : memref<16x50x64xf32, #tpu.memory_space<vmem>> -> memref<1x50x64xf32, #tpu.memory_space<vmem>>
      %dma_wait3A_684 = tpu.memref_squeeze %dma_wait3A_683 : memref<1x50x64xf32, #tpu.memory_space<vmem>> -> memref<50x64xf32, #tpu.memory_space<vmem>>
      %dma_wait3A_685 = arith.constant 0 : i32
      %dma_wait3A_686 = tpu.memref_slice %arg6[%dma_wait3A_679, %dma_wait3A_685] : memref<16x50xi32, #tpu.memory_space<vmem>> -> memref<1x50xi32, #tpu.memory_space<vmem>>
      %dma_wait3A_687 = tpu.memref_squeeze %dma_wait3A_686 : memref<1x50xi32, #tpu.memory_space<vmem>> -> memref<50xi32, #tpu.memory_space<vmem>>
      %dma_wait3A_688 = arith.constant 0 : i32
      %dma_wait3A_689 = arith.constant 0 : i32
      %dma_wait3A_690 = tpu.memref_slice %arg2[%dma_wait3A_688, %dma_wait3A_689] : memref<1000000x64xf32, #tpu.memory_space<hbm>> -> memref<1000000x64xf32, #tpu.memory_space<hbm>>
      tpu.wait_indirect_dma semaphore(%arg10 : memref<!tpu.dma_semaphore, #tpu.memory_space<semaphore_mem>>) src(%dma_wait3A_690 : memref<1000000x64xf32, #tpu.memory_space<hbm>>) dst(%dma_wait3A_684 : memref<50x64xf32, #tpu.memory_space<vmem>>)
      %dma_wait3A_691 = arith.constant 5 : i32
      %dma_wait3A_692 = arith.constant 5 : i32
      %dma_wait3A_693 = arith.constant 0 : i32
      %dma_wait3A_694 = arith.constant 0 : i32
      %dma_wait3A_695 = tpu.memref_slice %arg8[%dma_wait3A_692, %dma_wait3A_693, %dma_wait3A_694] : memref<16x50x64xf32, #tpu.memory_space<vmem>> -> memref<1x50x64xf32, #tpu.memory_space<vmem>>
      %dma_wait3A_696 = tpu.memref_squeeze %dma_wait3A_695 : memref<1x50x64xf32, #tpu.memory_space<vmem>> -> memref<50x64xf32, #tpu.memory_space<vmem>>
      %dma_wait3A_697 = arith.constant 0 : i32
      %dma_wait3A_698 = tpu.memref_slice %arg6[%dma_wait3A_691, %dma_wait3A_697] : memref<16x50xi32, #tpu.memory_space<vmem>> -> memref<1x50xi32, #tpu.memory_space<vmem>>
      %dma_wait3A_699 = tpu.memref_squeeze %dma_wait3A_698 : memref<1x50xi32, #tpu.memory_space<vmem>> -> memref<50xi32, #tpu.memory_space<vmem>>
      %dma_wait3A_700 = arith.constant 0 : i32
      %dma_wait3A_701 = arith.constant 0 : i32
      %dma_wait3A_702 = tpu.memref_slice %arg2[%dma_wait3A_700, %dma_wait3A_701] : memref<1000000x64xf32, #tpu.memory_space<hbm>> -> memref<1000000x64xf32, #tpu.memory_space<hbm>>
      tpu.wait_indirect_dma semaphore(%arg10 : memref<!tpu.dma_semaphore, #tpu.memory_space<semaphore_mem>>) src(%dma_wait3A_702 : memref<1000000x64xf32, #tpu.memory_space<hbm>>) dst(%dma_wait3A_696 : memref<50x64xf32, #tpu.memory_space<vmem>>)
      %dma_wait3A_703 = arith.constant 6 : i32
      %dma_wait3A_704 = arith.constant 6 : i32
      %dma_wait3A_705 = arith.constant 0 : i32
      %dma_wait3A_706 = arith.constant 0 : i32
      %dma_wait3A_707 = tpu.memref_slice %arg8[%dma_wait3A_704, %dma_wait3A_705, %dma_wait3A_706] : memref<16x50x64xf32, #tpu.memory_space<vmem>> -> memref<1x50x64xf32, #tpu.memory_space<vmem>>
      %dma_wait3A_708 = tpu.memref_squeeze %dma_wait3A_707 : memref<1x50x64xf32, #tpu.memory_space<vmem>> -> memref<50x64xf32, #tpu.memory_space<vmem>>
      %dma_wait3A_709 = arith.constant 0 : i32
      %dma_wait3A_710 = tpu.memref_slice %arg6[%dma_wait3A_703, %dma_wait3A_709] : memref<16x50xi32, #tpu.memory_space<vmem>> -> memref<1x50xi32, #tpu.memory_space<vmem>>
      %dma_wait3A_711 = tpu.memref_squeeze %dma_wait3A_710 : memref<1x50xi32, #tpu.memory_space<vmem>> -> memref<50xi32, #tpu.memory_space<vmem>>
      %dma_wait3A_712 = arith.constant 0 : i32
      %dma_wait3A_713 = arith.constant 0 : i32
      %dma_wait3A_714 = tpu.memref_slice %arg2[%dma_wait3A_712, %dma_wait3A_713] : memref<1000000x64xf32, #tpu.memory_space<hbm>> -> memref<1000000x64xf32, #tpu.memory_space<hbm>>
      tpu.wait_indirect_dma semaphore(%arg10 : memref<!tpu.dma_semaphore, #tpu.memory_space<semaphore_mem>>) src(%dma_wait3A_714 : memref<1000000x64xf32, #tpu.memory_space<hbm>>) dst(%dma_wait3A_708 : memref<50x64xf32, #tpu.memory_space<vmem>>)
      %dma_wait3A_715 = arith.constant 7 : i32
      %dma_wait3A_716 = arith.constant 7 : i32
      %dma_wait3A_717 = arith.constant 0 : i32
      %dma_wait3A_718 = arith.constant 0 : i32
      %dma_wait3A_719 = tpu.memref_slice %arg8[%dma_wait3A_716, %dma_wait3A_717, %dma_wait3A_718] : memref<16x50x64xf32, #tpu.memory_space<vmem>> -> memref<1x50x64xf32, #tpu.memory_space<vmem>>
      %dma_wait3A_720 = tpu.memref_squeeze %dma_wait3A_719 : memref<1x50x64xf32, #tpu.memory_space<vmem>> -> memref<50x64xf32, #tpu.memory_space<vmem>>
      %dma_wait3A_721 = arith.constant 0 : i32
      %dma_wait3A_722 = tpu.memref_slice %arg6[%dma_wait3A_715, %dma_wait3A_721] : memref<16x50xi32, #tpu.memory_space<vmem>> -> memref<1x50xi32, #tpu.memory_space<vmem>>
      %dma_wait3A_723 = tpu.memref_squeeze %dma_wait3A_722 : memref<1x50xi32, #tpu.memory_space<vmem>> -> memref<50xi32, #tpu.memory_space<vmem>>
      %dma_wait3A_724 = arith.constant 0 : i32
      %dma_wait3A_725 = arith.constant 0 : i32
      %dma_wait3A_726 = tpu.memref_slice %arg2[%dma_wait3A_724, %dma_wait3A_725] : memref<1000000x64xf32, #tpu.memory_space<hbm>> -> memref<1000000x64xf32, #tpu.memory_space<hbm>>
      tpu.wait_indirect_dma semaphore(%arg10 : memref<!tpu.dma_semaphore, #tpu.memory_space<semaphore_mem>>) src(%dma_wait3A_726 : memref<1000000x64xf32, #tpu.memory_space<hbm>>) dst(%dma_wait3A_720 : memref<50x64xf32, #tpu.memory_space<vmem>>)
      %dma_wait3A_727 = arith.constant 8 : i32
      %dma_wait3A_728 = arith.constant 8 : i32
      %dma_wait3A_729 = arith.constant 0 : i32
      %dma_wait3A_730 = arith.constant 0 : i32
      %dma_wait3A_731 = tpu.memref_slice %arg8[%dma_wait3A_728, %dma_wait3A_729, %dma_wait3A_730] : memref<16x50x64xf32, #tpu.memory_space<vmem>> -> memref<1x50x64xf32, #tpu.memory_space<vmem>>
      %dma_wait3A_732 = tpu.memref_squeeze %dma_wait3A_731 : memref<1x50x64xf32, #tpu.memory_space<vmem>> -> memref<50x64xf32, #tpu.memory_space<vmem>>
      %dma_wait3A_733 = arith.constant 0 : i32
      %dma_wait3A_734 = tpu.memref_slice %arg6[%dma_wait3A_727, %dma_wait3A_733] : memref<16x50xi32, #tpu.memory_space<vmem>> -> memref<1x50xi32, #tpu.memory_space<vmem>>
      %dma_wait3A_735 = tpu.memref_squeeze %dma_wait3A_734 : memref<1x50xi32, #tpu.memory_space<vmem>> -> memref<50xi32, #tpu.memory_space<vmem>>
      %dma_wait3A_736 = arith.constant 0 : i32
      %dma_wait3A_737 = arith.constant 0 : i32
      %dma_wait3A_738 = tpu.memref_slice %arg2[%dma_wait3A_736, %dma_wait3A_737] : memref<1000000x64xf32, #tpu.memory_space<hbm>> -> memref<1000000x64xf32, #tpu.memory_space<hbm>>
      tpu.wait_indirect_dma semaphore(%arg10 : memref<!tpu.dma_semaphore, #tpu.memory_space<semaphore_mem>>) src(%dma_wait3A_738 : memref<1000000x64xf32, #tpu.memory_space<hbm>>) dst(%dma_wait3A_732 : memref<50x64xf32, #tpu.memory_space<vmem>>)
      %dma_wait3A_739 = arith.constant 9 : i32
      %dma_wait3A_740 = arith.constant 9 : i32
      %dma_wait3A_741 = arith.constant 0 : i32
      %dma_wait3A_742 = arith.constant 0 : i32
      %dma_wait3A_743 = tpu.memref_slice %arg8[%dma_wait3A_740, %dma_wait3A_741, %dma_wait3A_742] : memref<16x50x64xf32, #tpu.memory_space<vmem>> -> memref<1x50x64xf32, #tpu.memory_space<vmem>>
      %dma_wait3A_744 = tpu.memref_squeeze %dma_wait3A_743 : memref<1x50x64xf32, #tpu.memory_space<vmem>> -> memref<50x64xf32, #tpu.memory_space<vmem>>
      %dma_wait3A_745 = arith.constant 0 : i32
      %dma_wait3A_746 = tpu.memref_slice %arg6[%dma_wait3A_739, %dma_wait3A_745] : memref<16x50xi32, #tpu.memory_space<vmem>> -> memref<1x50xi32, #tpu.memory_space<vmem>>
      %dma_wait3A_747 = tpu.memref_squeeze %dma_wait3A_746 : memref<1x50xi32, #tpu.memory_space<vmem>> -> memref<50xi32, #tpu.memory_space<vmem>>
      %dma_wait3A_748 = arith.constant 0 : i32
      %dma_wait3A_749 = arith.constant 0 : i32
      %dma_wait3A_750 = tpu.memref_slice %arg2[%dma_wait3A_748, %dma_wait3A_749] : memref<1000000x64xf32, #tpu.memory_space<hbm>> -> memref<1000000x64xf32, #tpu.memory_space<hbm>>
      tpu.wait_indirect_dma semaphore(%arg10 : memref<!tpu.dma_semaphore, #tpu.memory_space<semaphore_mem>>) src(%dma_wait3A_750 : memref<1000000x64xf32, #tpu.memory_space<hbm>>) dst(%dma_wait3A_744 : memref<50x64xf32, #tpu.memory_space<vmem>>)
      %dma_wait3A_751 = arith.constant 10 : i32
      %dma_wait3A_752 = arith.constant 10 : i32
      %dma_wait3A_753 = arith.constant 0 : i32
      %dma_wait3A_754 = arith.constant 0 : i32
      %dma_wait3A_755 = tpu.memref_slice %arg8[%dma_wait3A_752, %dma_wait3A_753, %dma_wait3A_754] : memref<16x50x64xf32, #tpu.memory_space<vmem>> -> memref<1x50x64xf32, #tpu.memory_space<vmem>>
      %dma_wait3A_756 = tpu.memref_squeeze %dma_wait3A_755 : memref<1x50x64xf32, #tpu.memory_space<vmem>> -> memref<50x64xf32, #tpu.memory_space<vmem>>
      %dma_wait3A_757 = arith.constant 0 : i32
      %dma_wait3A_758 = tpu.memref_slice %arg6[%dma_wait3A_751, %dma_wait3A_757] : memref<16x50xi32, #tpu.memory_space<vmem>> -> memref<1x50xi32, #tpu.memory_space<vmem>>
      %dma_wait3A_759 = tpu.memref_squeeze %dma_wait3A_758 : memref<1x50xi32, #tpu.memory_space<vmem>> -> memref<50xi32, #tpu.memory_space<vmem>>
      %dma_wait3A_760 = arith.constant 0 : i32
      %dma_wait3A_761 = arith.constant 0 : i32
      %dma_wait3A_762 = tpu.memref_slice %arg2[%dma_wait3A_760, %dma_wait3A_761] : memref<1000000x64xf32, #tpu.memory_space<hbm>> -> memref<1000000x64xf32, #tpu.memory_space<hbm>>
      tpu.wait_indirect_dma semaphore(%arg10 : memref<!tpu.dma_semaphore, #tpu.memory_space<semaphore_mem>>) src(%dma_wait3A_762 : memref<1000000x64xf32, #tpu.memory_space<hbm>>) dst(%dma_wait3A_756 : memref<50x64xf32, #tpu.memory_space<vmem>>)
      %dma_wait3A_763 = arith.constant 11 : i32
      %dma_wait3A_764 = arith.constant 11 : i32
      %dma_wait3A_765 = arith.constant 0 : i32
      %dma_wait3A_766 = arith.constant 0 : i32
      %dma_wait3A_767 = tpu.memref_slice %arg8[%dma_wait3A_764, %dma_wait3A_765, %dma_wait3A_766] : memref<16x50x64xf32, #tpu.memory_space<vmem>> -> memref<1x50x64xf32, #tpu.memory_space<vmem>>
      %dma_wait3A_768 = tpu.memref_squeeze %dma_wait3A_767 : memref<1x50x64xf32, #tpu.memory_space<vmem>> -> memref<50x64xf32, #tpu.memory_space<vmem>>
      %dma_wait3A_769 = arith.constant 0 : i32
      %dma_wait3A_770 = tpu.memref_slice %arg6[%dma_wait3A_763, %dma_wait3A_769] : memref<16x50xi32, #tpu.memory_space<vmem>> -> memref<1x50xi32, #tpu.memory_space<vmem>>
      %dma_wait3A_771 = tpu.memref_squeeze %dma_wait3A_770 : memref<1x50xi32, #tpu.memory_space<vmem>> -> memref<50xi32, #tpu.memory_space<vmem>>
      %dma_wait3A_772 = arith.constant 0 : i32
      %dma_wait3A_773 = arith.constant 0 : i32
      %dma_wait3A_774 = tpu.memref_slice %arg2[%dma_wait3A_772, %dma_wait3A_773] : memref<1000000x64xf32, #tpu.memory_space<hbm>> -> memref<1000000x64xf32, #tpu.memory_space<hbm>>
      tpu.wait_indirect_dma semaphore(%arg10 : memref<!tpu.dma_semaphore, #tpu.memory_space<semaphore_mem>>) src(%dma_wait3A_774 : memref<1000000x64xf32, #tpu.memory_space<hbm>>) dst(%dma_wait3A_768 : memref<50x64xf32, #tpu.memory_space<vmem>>)
      %dma_wait3A_775 = arith.constant 12 : i32
      %dma_wait3A_776 = arith.constant 12 : i32
      %dma_wait3A_777 = arith.constant 0 : i32
      %dma_wait3A_778 = arith.constant 0 : i32
      %dma_wait3A_779 = tpu.memref_slice %arg8[%dma_wait3A_776, %dma_wait3A_777, %dma_wait3A_778] : memref<16x50x64xf32, #tpu.memory_space<vmem>> -> memref<1x50x64xf32, #tpu.memory_space<vmem>>
      %dma_wait3A_780 = tpu.memref_squeeze %dma_wait3A_779 : memref<1x50x64xf32, #tpu.memory_space<vmem>> -> memref<50x64xf32, #tpu.memory_space<vmem>>
      %dma_wait3A_781 = arith.constant 0 : i32
      %dma_wait3A_782 = tpu.memref_slice %arg6[%dma_wait3A_775, %dma_wait3A_781] : memref<16x50xi32, #tpu.memory_space<vmem>> -> memref<1x50xi32, #tpu.memory_space<vmem>>
      %dma_wait3A_783 = tpu.memref_squeeze %dma_wait3A_782 : memref<1x50xi32, #tpu.memory_space<vmem>> -> memref<50xi32, #tpu.memory_space<vmem>>
      %dma_wait3A_784 = arith.constant 0 : i32
      %dma_wait3A_785 = arith.constant 0 : i32
      %dma_wait3A_786 = tpu.memref_slice %arg2[%dma_wait3A_784, %dma_wait3A_785] : memref<1000000x64xf32, #tpu.memory_space<hbm>> -> memref<1000000x64xf32, #tpu.memory_space<hbm>>
      tpu.wait_indirect_dma semaphore(%arg10 : memref<!tpu.dma_semaphore, #tpu.memory_space<semaphore_mem>>) src(%dma_wait3A_786 : memref<1000000x64xf32, #tpu.memory_space<hbm>>) dst(%dma_wait3A_780 : memref<50x64xf32, #tpu.memory_space<vmem>>)
      %dma_wait3A_787 = arith.constant 13 : i32
      %dma_wait3A_788 = arith.constant 13 : i32
      %dma_wait3A_789 = arith.constant 0 : i32
      %dma_wait3A_790 = arith.constant 0 : i32
      %dma_wait3A_791 = tpu.memref_slice %arg8[%dma_wait3A_788, %dma_wait3A_789, %dma_wait3A_790] : memref<16x50x64xf32, #tpu.memory_space<vmem>> -> memref<1x50x64xf32, #tpu.memory_space<vmem>>
      %dma_wait3A_792 = tpu.memref_squeeze %dma_wait3A_791 : memref<1x50x64xf32, #tpu.memory_space<vmem>> -> memref<50x64xf32, #tpu.memory_space<vmem>>
      %dma_wait3A_793 = arith.constant 0 : i32
      %dma_wait3A_794 = tpu.memref_slice %arg6[%dma_wait3A_787, %dma_wait3A_793] : memref<16x50xi32, #tpu.memory_space<vmem>> -> memref<1x50xi32, #tpu.memory_space<vmem>>
      %dma_wait3A_795 = tpu.memref_squeeze %dma_wait3A_794 : memref<1x50xi32, #tpu.memory_space<vmem>> -> memref<50xi32, #tpu.memory_space<vmem>>
      %dma_wait3A_796 = arith.constant 0 : i32
      %dma_wait3A_797 = arith.constant 0 : i32
      %dma_wait3A_798 = tpu.memref_slice %arg2[%dma_wait3A_796, %dma_wait3A_797] : memref<1000000x64xf32, #tpu.memory_space<hbm>> -> memref<1000000x64xf32, #tpu.memory_space<hbm>>
      tpu.wait_indirect_dma semaphore(%arg10 : memref<!tpu.dma_semaphore, #tpu.memory_space<semaphore_mem>>) src(%dma_wait3A_798 : memref<1000000x64xf32, #tpu.memory_space<hbm>>) dst(%dma_wait3A_792 : memref<50x64xf32, #tpu.memory_space<vmem>>)
      %dma_wait3A_799 = arith.constant 14 : i32
      %dma_wait3A_800 = arith.constant 14 : i32
      %dma_wait3A_801 = arith.constant 0 : i32
      %dma_wait3A_802 = arith.constant 0 : i32
      %dma_wait3A_803 = tpu.memref_slice %arg8[%dma_wait3A_800, %dma_wait3A_801, %dma_wait3A_802] : memref<16x50x64xf32, #tpu.memory_space<vmem>> -> memref<1x50x64xf32, #tpu.memory_space<vmem>>
      %dma_wait3A_804 = tpu.memref_squeeze %dma_wait3A_803 : memref<1x50x64xf32, #tpu.memory_space<vmem>> -> memref<50x64xf32, #tpu.memory_space<vmem>>
      %dma_wait3A_805 = arith.constant 0 : i32
      %dma_wait3A_806 = tpu.memref_slice %arg6[%dma_wait3A_799, %dma_wait3A_805] : memref<16x50xi32, #tpu.memory_space<vmem>> -> memref<1x50xi32, #tpu.memory_space<vmem>>
      %dma_wait3A_807 = tpu.memref_squeeze %dma_wait3A_806 : memref<1x50xi32, #tpu.memory_space<vmem>> -> memref<50xi32, #tpu.memory_space<vmem>>
      %dma_wait3A_808 = arith.constant 0 : i32
      %dma_wait3A_809 = arith.constant 0 : i32
      %dma_wait3A_810 = tpu.memref_slice %arg2[%dma_wait3A_808, %dma_wait3A_809] : memref<1000000x64xf32, #tpu.memory_space<hbm>> -> memref<1000000x64xf32, #tpu.memory_space<hbm>>
      tpu.wait_indirect_dma semaphore(%arg10 : memref<!tpu.dma_semaphore, #tpu.memory_space<semaphore_mem>>) src(%dma_wait3A_810 : memref<1000000x64xf32, #tpu.memory_space<hbm>>) dst(%dma_wait3A_804 : memref<50x64xf32, #tpu.memory_space<vmem>>)
      %dma_wait3A_811 = arith.constant 15 : i32
      %dma_wait3A_812 = arith.constant 15 : i32
      %dma_wait3A_813 = arith.constant 0 : i32
      %dma_wait3A_814 = arith.constant 0 : i32
      %dma_wait3A_815 = tpu.memref_slice %arg8[%dma_wait3A_812, %dma_wait3A_813, %dma_wait3A_814] : memref<16x50x64xf32, #tpu.memory_space<vmem>> -> memref<1x50x64xf32, #tpu.memory_space<vmem>>
      %dma_wait3A_816 = tpu.memref_squeeze %dma_wait3A_815 : memref<1x50x64xf32, #tpu.memory_space<vmem>> -> memref<50x64xf32, #tpu.memory_space<vmem>>
      %dma_wait3A_817 = arith.constant 0 : i32
      %dma_wait3A_818 = tpu.memref_slice %arg6[%dma_wait3A_811, %dma_wait3A_817] : memref<16x50xi32, #tpu.memory_space<vmem>> -> memref<1x50xi32, #tpu.memory_space<vmem>>
      %dma_wait3A_819 = tpu.memref_squeeze %dma_wait3A_818 : memref<1x50xi32, #tpu.memory_space<vmem>> -> memref<50xi32, #tpu.memory_space<vmem>>
      %dma_wait3A_820 = arith.constant 0 : i32
      %dma_wait3A_821 = arith.constant 0 : i32
      %dma_wait3A_822 = tpu.memref_slice %arg2[%dma_wait3A_820, %dma_wait3A_821] : memref<1000000x64xf32, #tpu.memory_space<hbm>> -> memref<1000000x64xf32, #tpu.memory_space<hbm>>
      tpu.wait_indirect_dma semaphore(%arg10 : memref<!tpu.dma_semaphore, #tpu.memory_space<semaphore_mem>>) src(%dma_wait3A_822 : memref<1000000x64xf32, #tpu.memory_space<hbm>>) dst(%dma_wait3A_816 : memref<50x64xf32, #tpu.memory_space<vmem>>)
      %add3A_823 = arith.constant 2 : i32
      %add3A_824 = arith.addi %add3A_627, %add3A_823 : i32
      %lt3A_825 = arith.constant 32 : i32
      %lt3A_826 = arith.cmpi slt, %add3A_824, %lt3A_825 : i32
      %convert_element_type3A_827 = arith.extui %lt3A_826 : i1 to i32
      %cond3A_828 = arith.constant 0 : i32
      %cond3A_829 = arith.cmpi ne, %convert_element_type3A_827, %cond3A_828 : i32
      scf.if %cond3A_829 {
        %add3A_830 = arith.constant 2 : i32
        %add3A_831 = arith.addi %add3A_627, %add3A_830 : i32
        %mul3A_832 = arith.constant 16 : i32
        %mul3A_833 = arith.muli %add3A_831, %mul3A_832 : i32
        %add3A_834 = arith.addi %mul3A_2, %mul3A_833 : i32
        %dma_start3A_835 = arith.constant 0 : i32
        %dma_start3A_836 = tpu.memref_slice %arg3[%add3A_834, %dma_start3A_835] : memref<16384x50xi32, #tpu.memory_space<hbm>> -> memref<16x50xi32, #tpu.memory_space<hbm>>
        %dma_start3A_837 = arith.constant 0 : i32
        %dma_start3A_838 = tpu.memref_slice %arg3[%add3A_834, %dma_start3A_837] : memref<16384x50xi32, #tpu.memory_space<hbm>> -> memref<16x50xi32, #tpu.memory_space<hbm>>
        tpu.enqueue_dma source(%dma_start3A_838 : memref<16x50xi32, #tpu.memory_space<hbm>>) target(%arg6 : memref<16x50xi32, #tpu.memory_space<vmem>>) target_semaphore(%arg12 : memref<!tpu.dma_semaphore, #tpu.memory_space<semaphore_mem>>)
      } else {
      }
      "tpu.region"() ({
        %run_scoped3A = tpu.sem_alloc : memref<!tpu.dma_semaphore, #tpu.memory_space<semaphore_mem>>
        %dma_start3A_830 = arith.constant 0 : i32
        %dma_start3A_831 = arith.constant 0 : i32
        %dma_start3A_832 = tpu.memref_slice %arg4[%add3A_630, %dma_start3A_830, %dma_start3A_831] : memref<16384x56x128xf32, #tpu.memory_space<hbm>> -> memref<16x50x64xf32, #tpu.memory_space<hbm>>
        %dma_start3A_833 = arith.constant 0 : i32
        %dma_start3A_834 = arith.constant 0 : i32
        %dma_start3A_835 = tpu.memref_slice %arg4[%add3A_630, %dma_start3A_833, %dma_start3A_834] : memref<16384x56x128xf32, #tpu.memory_space<hbm>> -> memref<16x50x64xf32, #tpu.memory_space<hbm>>
        tpu.enqueue_dma source(%arg8 : memref<16x50x64xf32, #tpu.memory_space<vmem>>) target(%dma_start3A_835 : memref<16x50x64xf32, #tpu.memory_space<hbm>>) target_semaphore(%run_scoped3A : memref<!tpu.dma_semaphore, #tpu.memory_space<semaphore_mem>>)
        %dma_wait3A_836 = arith.constant 0 : i32
        %dma_wait3A_837 = arith.constant 0 : i32
        %dma_wait3A_838 = tpu.memref_slice %arg4[%add3A_630, %dma_wait3A_836, %dma_wait3A_837] : memref<16384x56x128xf32, #tpu.memory_space<hbm>> -> memref<16x50x64xf32, #tpu.memory_space<hbm>>
        %dma_wait3A_839 = arith.constant 0 : i32
        %dma_wait3A_840 = arith.constant 0 : i32
        %dma_wait3A_841 = tpu.memref_slice %arg4[%add3A_630, %dma_wait3A_839, %dma_wait3A_840] : memref<16384x56x128xf32, #tpu.memory_space<hbm>> -> memref<16x50x64xf32, #tpu.memory_space<hbm>>
        tpu.wait_dma2 semaphore(%run_scoped3A : memref<!tpu.dma_semaphore, #tpu.memory_space<semaphore_mem>>) src(%arg8 : memref<16x50x64xf32, #tpu.memory_space<vmem>>) dst(%dma_wait3A_841 : memref<16x50x64xf32, #tpu.memory_space<hbm>>)
        tpu.yield
      }) : () -> ()
    }
    %scan3A_215 = arith.constant 16 : i32
    return
  }
}

</mosaic_0001>

<sc_bundles>
// kernel: kernel.3.cloned.1.call-start
scs
__scs_entry_jumppad:
0x0: {  	(pc) =	sbr.rel $0x88, $3  }
0x1: {  	(tag) =	ssettag $0x0;
	lr =	simm.s32 $0x1  }
0x2: {  	[smem:$0x3F9F] =	sst lr;
	_ =	strace $0xD0000000  }
0x3: {  	_ = 	snop  }
0x4: {  	_ = 	snop  }
0x5: {  	_ = 	snop  }
0x6: {  	_ = 	snop  }
0x7: {  	_ = 	snop  }
__scs_overlays_trampoline_lowered:
0x8: {  	[smem:$0x3FAE] =	sst s0  }
0x9: {  	[smem:$0x3FAF] =	sst s1  }
0xa: {  	[smem:$0x3FB0] =	sst s2  }
0xb: {  	[smem:$0x3FB1] =	sst s3  }
0xc: {  	[smem:$0x3FB2] =	sst s4  }
0xd: {  	[smem:$0x3FB3] =	sst s5  }
0xe: {  	[smem:$0x3FB4] =	sst s6  }
0xf: {  	[smem:$0x3FB5] =	sst s7  }
0x10: {  	[smem:$0x3FB6] =	sst s8  }
0x11: {  	[smem:$0x3FB7] =	sst s9;
	s0 =	simm.s32 @!p0 $0x0  }
0x12: {  	s1 =	sld [smem:$0x3F9D];
	s0 =	simm.s32 @p0 $0x1  }
0x13: {  	[smem:$0x3FB8] =	sst s0;
	s0 =	simm.s32 @!p1 $0x0  }
0x14: {  	s2 =	sld [smem:$0x3F9C];
	s0 =	simm.s32 @p1 $0x1  }
0x15: {  	[smem:$0x3FB9] =	sst s0;
	s0 =	simm.s32 @!p2 $0x0  }
0x16: {  	s3 =	sld [smem:$0x3FDB];
	s0 =	simm.s32 @p2 $0x1  }
0x17: {  	s4 =	simm.s32 $0x1BF5;
	[smem:$0x3FBB] =	sst s0  }
0x18: {  	s0 =	sld [smem:$0x3F9E];
	_ =	swait.ge [sflag:s4], $0x0  }
0x19: {  	s7 =	sld [smem:$0x3F9F]  }
0x1a: {  	s8 =	sadd.s32 $0xFFFFE003, lr  }
0x1b: {  	s9 =	sadd.s32 $0xFFFFFEF7, lr;
	s5 =	simm.s32 $0xFFFFFFFF;
	p2 =	slt.u32 s8, $0xFFFFF086  }
0x1c: {  	p1 =	slt.u32 s9, $0xF7A;
	s5 =	simm.s32 @!p2 $0x0  }
0x1d: {  	s5 =	simm.s32 @p1 $0x1;
	p0 =	seq.s32 s7, s2  }
0x1e: {  	s7 =	smul.u32 @!p0 $0xF7A, s2;
	p2 =	seq.s32 @!p0 s5, $0x0  }
0x1f: {  	s9 =	smul.u32 $0xF7A, s1;
	s8 =	simm.s32 @!p0 $0x1BF5;
	p2 =	por !p2, p0  }
0x20: {  	[sflag:s8] =	ssyncset.s32 @!p0 $0xFFFFF086;
	s6 =	sadd.s32 @!p0 s3, s7;
	s7 =	simm.s32 @!p0 $0x108  }
0x21: {  	s3 =	sadd.s32 s3, s9;
	s6 =	sadd.s32 @!p0 $0x88, s6;
	s7 =	simm.s32 @p2 $0x1082  }
0x22: {  	[simem:s7], [sflag:s8] =	dma.local @!p0 [hbm:s6], $0xF7A  }
0x23: {  	s9 =	sor.u32 $0xD0000000, s2;
	s6 =	simm.s32 $0x108;
	_ =	swait.ge @!p0 [sflag:s8], $0x0  }
0x24: {  	s3 =	sadd.s32 $0x88, s3;
	s6 =	simm.s32 @!p1 $0x1082;
	[sflag:s4] =	ssyncset.s32 $0xFFFFF086  }
0x25: {  	[simem:s6], [sflag:s4] =	dma.local [hbm:s3], $0xF7A  }
0x26: {  	[smem:$0x3F9F] =	sst s1;
	(tag) =	ssettag s2;
	_ =	strace s9  }
0x27: {  	s1 =	sld [smem:$0x3FAF]  }
0x28: {  	s2 =	sld [smem:$0x3FB0]  }
0x29: {  	s4 =	sld [smem:$0x3FB2]  }
0x2a: {  	p0 =	seq.s32 s5, $0x0;
	s5 =	sld [smem:$0x3FB3]  }
0x2b: {  	s6 =	sld [smem:$0x3FB4]  }
0x2c: {  	s7 =	sld [smem:$0x3FB5]  }
0x2d: {  	s3 =	simm.s32 $0x108;
	s8 =	sld [smem:$0x3FB6]  }
0x2e: {  	s3 =	simm.s32 @!p0 $0x1082;
	s9 =	sld [smem:$0x3FB7]  }
0x2f: {  	lr =	sadd.s32 s0, s3;
	s0 =	sld [smem:$0x3FAE]  }
0x30: {  	s3 =	sld [smem:$0x3FB1]  }
0x31: {  	[smem:$0x3FBA] =	sst s10  }
0x32: {  	s10 =	sld [smem:$0x3FB8];
	_ =	sdelay $0x3  }
0x33: {  	p0 =	seq.s32 s10, $0x1;
	s10 =	sld [smem:$0x3FBA];
	_ =	sdelay $0x3  }
0x34: {  	[smem:$0x3FBA] =	sst s10  }
0x35: {  	s10 =	sld [smem:$0x3FB9];
	_ =	sdelay $0x3  }
0x36: {  	p1 =	seq.s32 s10, $0x1;
	s10 =	sld [smem:$0x3FBA];
	_ =	sdelay $0x3  }
0x37: {  	[smem:$0x3FBA] =	sst s10  }
0x38: {  	s10 =	sld [smem:$0x3FBB]  }
0x39: {  	_ = 	snop;
	(pc) =	sbr.ind lr, $3  }
0x3a: {  	_ = 	snop  }
0x3b: {  	_ = 	snop  }
0x3c: {  	p2 =	seq.s32 s10, $0x1;
	s10 =	sld [smem:$0x3FBA]  }
0x3d: {  	_ =	shalt  }
0x3e: {  	_ =	shalt  }
0x3f: {  	_ =	shalt  }
0x40: {  	_ =	shalt  }
0x41: {  	_ =	shalt  }
0x42: {  	_ =	shalt  }
0x43: {  	_ =	shalt  }
0x44: {  	_ =	shalt  }
0x45: {  	_ =	shalt  }
0x46: {  	_ =	shalt  }
0x47: {  	_ =	shalt  }
0x48: {  	_ =	shalt  }
0x49: {  	_ =	shalt  }
0x4a: {  	_ =	shalt  }
0x4b: {  	_ =	shalt  }
0x4c: {  	_ =	shalt  }
0x4d: {  	_ =	shalt  }
0x4e: {  	_ =	shalt  }
0x4f: {  	_ =	shalt  }
0x50: {  	_ =	shalt  }
0x51: {  	_ =	shalt  }
0x52: {  	_ =	shalt  }
0x53: {  	_ =	shalt  }
0x54: {  	_ =	shalt  }
0x55: {  	_ =	shalt  }
0x56: {  	_ =	shalt  }
0x57: {  	_ =	shalt  }
0x58: {  	_ =	shalt  }
0x59: {  	_ =	shalt  }
0x5a: {  	_ =	shalt  }
0x5b: {  	_ =	shalt  }
0x5c: {  	_ =	shalt  }
0x5d: {  	_ =	shalt  }
0x5e: {  	_ =	shalt  }
0x5f: {  	_ =	shalt  }
0x60: {  	_ =	shalt  }
0x61: {  	_ =	shalt  }
0x62: {  	_ =	shalt  }
0x63: {  	_ =	shalt  }
0x64: {  	_ =	shalt  }
0x65: {  	_ =	shalt  }
0x66: {  	_ =	shalt  }
0x67: {  	_ =	shalt  }
0x68: {  	_ =	shalt  }
0x69: {  	_ =	shalt  }
0x6a: {  	_ =	shalt  }
0x6b: {  	_ =	shalt  }
0x6c: {  	_ =	shalt  }
0x6d: {  	_ =	shalt  }
0x6e: {  	_ =	shalt  }
0x6f: {  	_ =	shalt  }
0x70: {  	_ =	shalt  }
0x71: {  	_ =	shalt  }
0x72: {  	_ =	shalt  }
0x73: {  	_ =	shalt  }
0x74: {  	_ =	shalt  }
0x75: {  	_ =	shalt  }
0x76: {  	_ =	shalt  }
0x77: {  	_ =	shalt  }
0x78: {  	_ =	shalt  }
0x79: {  	_ =	shalt  }
0x7a: {  	_ =	shalt  }
0x7b: {  	_ =	shalt  }
0x7c: {  	_ =	shalt  }
0x7d: {  	_ =	shalt  }
0x7e: {  	_ =	shalt  }
0x7f: {  	_ =	shalt  }
0x80: {  	_ =	shalt  }
0x81: {  	_ =	shalt  }
0x82: {  	_ =	shalt  }
0x83: {  	_ =	shalt  }
0x84: {  	_ =	shalt  }
0x85: {  	_ =	shalt  }
0x86: {  	_ =	shalt  }
0x87: {  	_ =	shalt  }
.Lfunc_end0:
.L_simem_size_0:
called_computation.1_lowered:
.L_overlay_start_0:
0x88: {  	s2 =	sld [smem:$0x3FD9]  }
0x89: {  	s3 =	sld [smem:$0x3FFE];
	_ =	sdelay $0x1  }
0x8a: {  	s1 =	srdreg.scid  }
0x8b: {  	s0 =	sand.u32 $0x1, s1  }
0x8c: {  	s17 =	sshll.u32 s0, $0xA;
	s2 =	sadd.s32 s3, s2  }
0x8d: {  	s2 =	sadd.s32 s2, s17  }
0x8e: {  	[smem:$0x3FC6] =	sst s2  }
0x8f: {  	_ = 	snop  }
0x90: {  	s2 =	sld [smem:$0x3FD0];
	(tm) =	ssettm $0x1  }
0x91: {  	s18 =	sld [smem:$0x3FFB];
	_ =	sdelay $0x3  }
0x92: {  	_ =	strace s18  }
0x93: {  	s3 =	sld [smem:$0x3FFC];
	_ =	sdelay $0x3  }
0x94: {  	_ =	strace s3  }
0x95: {  	s3 =	sld [smem:$0x3FFD];
	_ =	sdelay $0x3  }
0x96: {  	_ =	strace s3  }
0x97: {  	_ =	strace $0x8FFFFFFF  }
0x98: {  	s19 =	sld [smem:$0x3FDB];
	_ =	sdelay $0x1  }
0x99: {  	s4 =	simm.s32 $_scs_section_size  }
0x9a: {  	s5 =	simm.s32 $_size__tile_overlayer_lowered;
	s6 =	simm.s32 $_tile_overlayer_lowered  }
0x9b: {  	s22 =	simm.s32 $0x1BFF;
	s21 =	sshll.u32 s6, $0x1;
	s3 =	sadd.s32 s4, s19  }
0x9c: {  	s7 =	simm.s32 $0x0;
	s20 =	sshll.u32 s5, $0x1;
	s5 =	sadd.s32 s21, s3  }
0x9d: {  	[timem:s7], [sflag:s22] =	dma.local [hbm:s5], s20  }
0x9e: {  	_ =	swait.ge [sflag:s22], s20  }
0x9f: {  	s4 =	ssub.s32 $0x0, s20;
	[sflag:s22] =	ssyncset.done $0x0  }
0xa0: {  	[sflag:s22] =	ssyncadd.s32 s4;
	_ =	sdelay $0x1  }
0xa1: {  	s23 =	simm.s32 $0x1B8B  }
0xa2: {  	_ =	swait.ge [sflag:s23], $0x1  }
0xa3: {  	[sflag:s23] =	ssyncset.done $0x0  }
0xa4: {  	s25 =	simm.s32 $0x1B8E;
	s24 =	sld [smem:$0x3FFE];
	[sflag:s23] =	ssyncadd.s32 $0xFFFFFFFF  }
0xa5: {  	s26 =	simm.s32 $execute0_lowered;
	[smem:$0x3FD2] =	sst s25  }
0xa6: {  	s5 =	sshll.u32 s26, $0x1;
	_ =	strace $0x80000046;
	[dreg:$0x1] =	wrdreg $0xFFFFFFFF  }
0xa7: {  	s28 =	simm.s32 $_size_execute0_lowered;
	s3 =	sadd.s32 s3, s5;
	[dreg:$0x0] =	wrdreg $0x0  }
0xa8: {  	s5 =	sshll.u32 s28, $0x1;
	[dreg:$0x2] =	wrdreg s3  }
0xa9: {  	[dreg:$0x3] =	wrdreg s5  }
0xaa: {  	[dreg:$0x4] =	wrdreg $0xC0  }
0xab: {  	_ =	task [dreg:s7], $0x5FFFF  }
0xac: {  	[dreg:$0x1] =	wrdreg $0xFFFFFFFF  }
0xad: {  	[dreg:$0x0] =	wrdreg $0x60  }
0xae: {  	[dreg:$0x2] =	wrdreg s24  }
0xaf: {  	[dreg:$0x3] =	wrdreg s2  }
0xb0: {  	[dreg:$0x4] =	wrdreg $0x9  }
0xb1: {  	_ =	task.clear_ibuf [dreg:s7], $0x5FFFF;
	_ =	strace $0x90000046  }
0xb2: {  	s29 =	simm.s32 $0x9;
	_ =	strace $0x80000048  }
0xb3: {  	_ =	swait.ge [sflag:s29], $0x1  }
0xb4: {  	[sflag:s29] =	ssyncadd.s32 $0xFFFFFFFF  }
0xb5: {  	_ =	strace $0x90000048  }
0xb6: {  	_ =	sfence  }
0xb7: {  	s30 =	sld [smem:$0x0];
	_ =	sdelay $0x2  }
0xb8: {  	s31 =	sshll.u32 s1, $0xD;
	s1 =	sshrl.u32 s1, $0x2  }
0xb9: {  	s3 =	sand.u32 $0x4000, s31;
	s1 =	sadd.s32 s1, s30  }
0xba: {  	s0 =	sor.u32 s3, s0;
	s1 =	sshll.u32 s1, $0x11  }
0xbb: {  	s0 =	sor.u32 s1, s0  }
0xbc: {  	s0 =	sadd.s32 $0x8F2B, s0  }
0xbd: {  	[sflag:s0] =	ssyncadd.remote.s32 $0x1  }
0xbe: {  	_ =	sfence.sel $0xFFFF  }
0xbf: {  	[dreg:$0x0] =	wrdreg $0xFFFFFFFF;
	(pc) =	sbr.abs _section_cstart, $3  }
0xc0: {  	[dreg:$0x1] =	wrdreg $0xFFFFFFFF  }
0xc1: {  	_ =	task.clear_ibuf [dreg:s7], $0x2FFFF;
	_ =	strace $0x9FFFFFFF  }
0xc2: {  	(tm) =	ssettm $0x7FFFFFFF  }
0xc3: {  	_ =	shalt  }
tec
execute0_lowered:
.L_overlay_start_1:
0x0: {  	(tag) =	ssettag $0x1  }
0x1: {  	s0 =	rddreg [dreg:$0x0];
	s1 =	srdreg.scid  }
0x2: {  	s2 =	rddreg [dreg:$0x1];
	s6 =	stileid.u32;
	s7 =	simm.s32 $0x0  }
0x3: {  	s29 =	simm.s32 $0x380;
	s10 =	simm.s32 $0x32;
	s9 =	simm.s32 $0x3F0  }
0x4: {  	s20 =	simm.s32 $0x700;
	s11 =	simm.s32 $0x428;
	[smem:$0x7FF] =	sst s7  }
0x5: {  	s12 =	simm.s32 $0x460;
	_ =	strace $0x80000047;
	[dreg:$0x5] =	wrdreg s9  }
0x6: {  	s30 =	simm.s32 $0x1380;
	s13 =	simm.s32 $0x498;
	[dreg:$0x6] =	wrdreg s11  }
0x7: {  	s14 =	simm.s32 $0x4D0;
	s16 =	simm.s32 $0x2000;
	[dreg:$0x7] =	wrdreg s12  }
0x8: {  	s15 =	simm.s32 $0x508;
	s17 =	simm.s32 $0x540;
	[dreg:$0x8] =	wrdreg s13  }
0x9: {  	s24 =	simm.s32 $0x2C80;
	s18 =	simm.s32 $0x578;
	[dreg:$0x9] =	wrdreg s14  }
0xa: {  	s19 =	simm.s32 $0x5B0;
	s21 =	simm.s32 $0x5E8;
	[dreg:$0xa] =	wrdreg s15  }
0xb: {  	s22 =	simm.s32 $0x620;
	s23 =	simm.s32 $0x658;
	[dreg:$0xb] =	wrdreg s17  }
0xc: {  	s31 =	simm.s32 $0x4;
	s28 =	simm.s32 $0x2;
	[dreg:$0xc] =	wrdreg s18  }
0xd: {  	s1 =	sand.u32 $0x1, s1;
	s5 =	smul.u32 $0xE0000, s6;
	[dreg:$0xd] =	wrdreg s19  }
0xe: {  	s3 =	sshll.u32 s6, $0xA;
	s6 =	smul.u32 $0x1C00, s6;
	[dreg:$0xe] =	wrdreg s21  }
0xf: {  	s4 =	sshll.u32 s1, $0x9;
	s8 =	smul.u32 $0xE00, s1;
	[dreg:$0xf] =	wrdreg s22  }
0x10: {  	s25 =	ssub.s32 $0x2, s1;
	s1 =	smul.u32 $0x70000, s1;
	[dreg:$0x10] =	wrdreg s23  }
0x11: {  	s14 =	simm.s32 $0xDB80;
	s18 =	simm.s32 $0xE800;
	s22 =	simm.s32 $0xF480  }
0x12: {  	s9 =	simm.s32 $0x13F80;
	s11 =	simm.s32 $0x16500;
	s13 =	simm.s32 $0x17180  }
0x13: {  	s15 =	simm.s32 $0x17E00;
	s17 =	simm.s32 $0x18A80;
	s19 =	simm.s32 $0x1  }
0x14: {  	s21 =	simm.s32 $0x40;
	s23 =	simm.s32 $0x80;
	s3 =	sor.u32 s4, s3  }
0x15: {  	s26 =	sshrl.u32 s25, $0x1;
	s4 =	smul.u32 $0x7, s3;
	s3 =	sadd.s32 $0xF42E00, s0  }
0x16: {  	s0 =	sadd.s32 s5, s0;
	s5 =	ssub.s32 s25, s26;
	s25 =	simm.s32 $0x690  }
0x17: {  	s12 =	simm.s32 $0x0;
	s26 =	simm.s32 $0x6C8;
	[dreg:$0x11] =	wrdreg s25  }
0x18: {  	s0 =	sadd.s32 s1, s0;
	s7 =	smax.u32 s5, $0x1;
	[dreg:$0x12] =	wrdreg s26  }
0x19: {  	s1 =	simm.s32 $0xCF00;
	s4 =	sadd.s32 s2, s4;
	[dreg:$0x15] =	wrdreg s7  }
0x1a: {  	s26 =	simm.s32 $0x10100;
	s0 =	sadd.s32 $0xA00, s0;
	[dreg:$0x13] =	wrdreg s4  }
0x1b: {  	s2 =	sadd.s32 s6, s2;
	s4 =	sadd.s32 $0x70, s4;
	[dreg:$0x16] =	wrdreg s0  }
0x1c: {  	s5 =	simm.s32 $0x10D80;
	s2 =	sadd.s32 s8, s2;
	[dreg:$0x14] =	wrdreg s4  }
0x1d: {  	s25 =	simm.s32 $0x5;
	s8 =	simm.s32 $0x3B8;
	[dreg:$0x3] =	wrdreg s2  }
0x1e: {  	s6 =	simm.s32 $0x11A00;
	s7 =	simm.s32 $0x14C00;
	[dreg:$0x4] =	wrdreg s8  }
0x1f: {  	s4 =	simm.s32 $0x12680;
	s2 =	simm.s32 $0x13300;
	s8 =	simm.s32 $0x15880  }
.LBB2_1:
0x20: {  	[dreg:$0x17] =	wrdreg s12  }
0x21: {  	s0 =	simm.s32 $0x0;
	s12 =	rddreg [dreg:$0x13]  }
0x22: {  	[tilespmem:s0], [sflag:$0x3] =	stream.linear.gather [hbm4b:s12+s0], $0x380, $0x38;
	[tilespmem:$0x19700] =	vst v63  }
0x23: {  	s12 =	rddreg [dreg:$0x14]  }
0x24: {  	[tilespmem:s29], [sflag:$0x4] =	stream.linear.gather [hbm4b:s12+s0], $0x380, $0x38;
	[tilespmem:$0x19700] =	vst v63  }
0x25: {  	s12 =	simm.s32 $0x3  }
0x26: {  	_ =	swait.ge [sflag:s12], $0x380  }
0x27: {  	[sflag:s12] =	ssyncset.done $0x0  }
0x28: {  	[sflag:s12] =	ssyncadd.s32 $0xFFFFFC80  }
0x29: {  	[tilespmem:s20], [sflag:$0x1] =	stream.indirect.gather [hbm4b:s3+s10], $0x40, s0, s10, $0xb8;
	[tilespmem:$0x19700] =	vst v63  }
0x2a: {  	s20 =	simm.s32 $0x38  }
0x2b: {  	[tilespmem:s30], [sflag:$0x1] =	stream.indirect.gather [hbm4b:s3+s10], $0x40, s20, s10, $0xb8;
	[tilespmem:$0x19700] =	vst v63  }
0x2c: {  	s12 =	simm.s32 $0x70  }
0x2d: {  	[tilespmem:s16], [sflag:$0x1] =	stream.indirect.gather [hbm4b:s3+s10], $0x40, s12, s10, $0xb8;
	[tilespmem:$0x19700] =	vst v63  }
0x2e: {  	s20 =	simm.s32 $0xA8  }
0x2f: {  	[tilespmem:s24], [sflag:$0x1] =	stream.indirect.gather [hbm4b:s3+s10], $0x40, s20, s10, $0xb8;
	[tilespmem:$0x19700] =	vst v63  }
0x30: {  	s12 =	simm.s32 $0xE0;
	s16 =	simm.s32 $0x3900  }
0x31: {  	[tilespmem:s16], [sflag:$0x1] =	stream.indirect.gather [hbm4b:s3+s10], $0x40, s12, s10, $0xb8;
	[tilespmem:$0x19700] =	vst v63  }
0x32: {  	s20 =	simm.s32 $0x118;
	s24 =	simm.s32 $0x4580  }
0x33: {  	[tilespmem:s24], [sflag:$0x1] =	stream.indirect.gather [hbm4b:s3+s10], $0x40, s20, s10, $0xb8;
	[tilespmem:$0x19700] =	vst v63  }
0x34: {  	s12 =	simm.s32 $0x150;
	s16 =	simm.s32 $0x5200  }
0x35: {  	[tilespmem:s16], [sflag:$0x1] =	stream.indirect.gather [hbm4b:s3+s10], $0x40, s12, s10, $0xb8;
	[tilespmem:$0x19700] =	vst v63  }
0x36: {  	s20 =	simm.s32 $0x188;
	s24 =	simm.s32 $0x5E80  }
0x37: {  	[tilespmem:s24], [sflag:$0x1] =	stream.indirect.gather [hbm4b:s3+s10], $0x40, s20, s10, $0xb8;
	[tilespmem:$0x19700] =	vst v63  }
0x38: {  	s12 =	simm.s32 $0x1C0;
	s16 =	simm.s32 $0x6B00  }
0x39: {  	[tilespmem:s16], [sflag:$0x1] =	stream.indirect.gather [hbm4b:s3+s10], $0x40, s12, s10, $0xb8;
	[tilespmem:$0x19700] =	vst v63  }
0x3a: {  	s20 =	simm.s32 $0x1F8;
	s24 =	simm.s32 $0x7780  }
0x3b: {  	[tilespmem:s24], [sflag:$0x1] =	stream.indirect.gather [hbm4b:s3+s10], $0x40, s20, s10, $0xb8;
	[tilespmem:$0x19700] =	vst v63  }
0x3c: {  	s12 =	simm.s32 $0x230;
	s16 =	simm.s32 $0x8400  }
0x3d: {  	[tilespmem:s16], [sflag:$0x1] =	stream.indirect.gather [hbm4b:s3+s10], $0x40, s12, s10, $0xb8;
	[tilespmem:$0x19700] =	vst v63  }
0x3e: {  	s20 =	simm.s32 $0x268;
	s24 =	simm.s32 $0x9080  }
0x3f: {  	[tilespmem:s24], [sflag:$0x1] =	stream.indirect.gather [hbm4b:s3+s10], $0x40, s20, s10, $0xb8;
	[tilespmem:$0x19700] =	vst v63  }
0x40: {  	s12 =	simm.s32 $0x2A0;
	s16 =	simm.s32 $0x9D00  }
0x41: {  	[tilespmem:s16], [sflag:$0x1] =	stream.indirect.gather [hbm4b:s3+s10], $0x40, s12, s10, $0xb8;
	[tilespmem:$0x19700] =	vst v63  }
0x42: {  	s20 =	simm.s32 $0x2D8;
	s24 =	simm.s32 $0xA980  }
0x43: {  	[tilespmem:s24], [sflag:$0x1] =	stream.indirect.gather [hbm4b:s3+s10], $0x40, s20, s10, $0xb8;
	[tilespmem:$0x19700] =	vst v63  }
0x44: {  	s12 =	simm.s32 $0x310;
	s16 =	simm.s32 $0xB600  }
0x45: {  	[tilespmem:s16], [sflag:$0x1] =	stream.indirect.gather [hbm4b:s3+s10], $0x40, s12, s10, $0xb8;
	[tilespmem:$0x19700] =	vst v63  }
0x46: {  	s20 =	simm.s32 $0x348;
	s24 =	simm.s32 $0xC280  }
0x47: {  	[tilespmem:s24], [sflag:$0x1] =	stream.indirect.gather [hbm4b:s3+s10], $0x40, s20, s10, $0xb8;
	[tilespmem:$0x19700] =	vst v63  }
0x48: {  	_ =	swait.ge [sflag:s31], $0x380  }
0x49: {  	[sflag:s31] =	ssyncset.done $0x0  }
0x4a: {  	[sflag:s31] =	ssyncadd.s32 $0xFFFFFC80  }
0x4b: {  	[tilespmem:s1], [sflag:$0x2] =	stream.indirect.gather [hbm4b:s3+s10], $0x40, s29, s10, $0xb8;
	[tilespmem:$0x19700] =	vst v63  }
0x4c: {  	s16 =	rddreg [dreg:$0x4]  }
0x4d: {  	[tilespmem:s14], [sflag:$0x2] =	stream.indirect.gather [hbm4b:s3+s10], $0x40, s16, s10, $0xb8;
	[tilespmem:$0x19700] =	vst v63  }
0x4e: {  	s20 =	rddreg [dreg:$0x5]  }
0x4f: {  	[tilespmem:s18], [sflag:$0x2] =	stream.indirect.gather [hbm4b:s3+s10], $0x40, s20, s10, $0xb8;
	[tilespmem:$0x19700] =	vst v63  }
0x50: {  	s24 =	rddreg [dreg:$0x6]  }
0x51: {  	[tilespmem:s22], [sflag:$0x2] =	stream.indirect.gather [hbm4b:s3+s10], $0x40, s24, s10, $0xb8;
	[tilespmem:$0x19700] =	vst v63  }
0x52: {  	s16 =	rddreg [dreg:$0x7]  }
0x53: {  	[tilespmem:s26], [sflag:$0x2] =	stream.indirect.gather [hbm4b:s3+s10], $0x40, s16, s10, $0xb8;
	[tilespmem:$0x19700] =	vst v63  }
0x54: {  	s20 =	rddreg [dreg:$0x8]  }
0x55: {  	[tilespmem:s5], [sflag:$0x2] =	stream.indirect.gather [hbm4b:s3+s10], $0x40, s20, s10, $0xb8;
	[tilespmem:$0x19700] =	vst v63  }
0x56: {  	s24 =	rddreg [dreg:$0x9]  }
0x57: {  	[tilespmem:s6], [sflag:$0x2] =	stream.indirect.gather [hbm4b:s3+s10], $0x40, s24, s10, $0xb8;
	[tilespmem:$0x19700] =	vst v63  }
0x58: {  	s16 =	rddreg [dreg:$0xa]  }
0x59: {  	[tilespmem:s4], [sflag:$0x2] =	stream.indirect.gather [hbm4b:s3+s10], $0x40, s16, s10, $0xb8;
	[tilespmem:$0x19700] =	vst v63  }
0x5a: {  	s20 =	rddreg [dreg:$0xb]  }
0x5b: {  	[tilespmem:s2], [sflag:$0x2] =	stream.indirect.gather [hbm4b:s3+s10], $0x40, s20, s10, $0xb8;
	[tilespmem:$0x19700] =	vst v63  }
0x5c: {  	s24 =	rddreg [dreg:$0xc]  }
0x5d: {  	[tilespmem:s9], [sflag:$0x2] =	stream.indirect.gather [hbm4b:s3+s10], $0x40, s24, s10, $0xb8;
	[tilespmem:$0x19700] =	vst v63  }
0x5e: {  	s16 =	rddreg [dreg:$0xd]  }
0x5f: {  	[tilespmem:s7], [sflag:$0x2] =	stream.indirect.gather [hbm4b:s3+s10], $0x40, s16, s10, $0xb8;
	[tilespmem:$0x19700] =	vst v63  }
0x60: {  	s20 =	rddreg [dreg:$0xe]  }
0x61: {  	[tilespmem:s8], [sflag:$0x2] =	stream.indirect.gather [hbm4b:s3+s10], $0x40, s20, s10, $0xb8;
	[tilespmem:$0x19700] =	vst v63  }
0x62: {  	s24 =	rddreg [dreg:$0xf]  }
0x63: {  	[tilespmem:s11], [sflag:$0x2] =	stream.indirect.gather [hbm4b:s3+s10], $0x40, s24, s10, $0xb8;
	[tilespmem:$0x19700] =	vst v63  }
0x64: {  	s16 =	rddreg [dreg:$0x10]  }
0x65: {  	[tilespmem:s13], [sflag:$0x2] =	stream.indirect.gather [hbm4b:s3+s10], $0x40, s16, s10, $0xb8;
	[tilespmem:$0x19700] =	vst v63  }
0x66: {  	s20 =	rddreg [dreg:$0x11]  }
0x67: {  	[tilespmem:s15], [sflag:$0x2] =	stream.indirect.gather [hbm4b:s3+s10], $0x40, s20, s10, $0xb8;
	[tilespmem:$0x19700] =	vst v63  }
0x68: {  	s24 =	rddreg [dreg:$0x12]  }
0x69: {  	[tilespmem:s17], [sflag:$0x2] =	stream.indirect.gather [hbm4b:s3+s10], $0x40, s24, s10, $0xb8;
	[tilespmem:$0x19700] =	vst v63  }
0x6a: {  	_ =	swait.ge [sflag:s19], $0xC80  }
0x6b: {  	[sflag:s19] =	ssyncset.done $0x0  }
0x6c: {  	[sflag:s19] =	ssyncadd.s32 $0xFFFFF380  }
0x6d: {  	_ =	swait.ge [sflag:s19], $0xC80  }
0x6e: {  	[sflag:s19] =	ssyncset.done $0x0  }
0x6f: {  	[sflag:s19] =	ssyncadd.s32 $0xFFFFF380  }
0x70: {  	_ =	swait.ge [sflag:s19], $0xC80  }
0x71: {  	[sflag:s19] =	ssyncset.done $0x0  }
0x72: {  	[sflag:s19] =	ssyncadd.s32 $0xFFFFF380  }
0x73: {  	_ =	swait.ge [sflag:s19], $0xC80  }
0x74: {  	[sflag:s19] =	ssyncset.done $0x0  }
0x75: {  	[sflag:s19] =	ssyncadd.s32 $0xFFFFF380  }
0x76: {  	_ =	swait.ge [sflag:s19], $0xC80  }
0x77: {  	[sflag:s19] =	ssyncset.done $0x0  }
0x78: {  	[sflag:s19] =	ssyncadd.s32 $0xFFFFF380  }
0x79: {  	_ =	swait.ge [sflag:s19], $0xC80  }
0x7a: {  	[sflag:s19] =	ssyncset.done $0x0  }
0x7b: {  	[sflag:s19] =	ssyncadd.s32 $0xFFFFF380  }
0x7c: {  	_ =	swait.ge [sflag:s19], $0xC80  }
0x7d: {  	[sflag:s19] =	ssyncset.done $0x0  }
0x7e: {  	[sflag:s19] =	ssyncadd.s32 $0xFFFFF380  }
0x7f: {  	_ =	swait.ge [sflag:s19], $0xC80  }
0x80: {  	[sflag:s19] =	ssyncset.done $0x0  }
0x81: {  	[sflag:s19] =	ssyncadd.s32 $0xFFFFF380  }
0x82: {  	_ =	swait.ge [sflag:s19], $0xC80  }
0x83: {  	[sflag:s19] =	ssyncset.done $0x0  }
0x84: {  	[sflag:s19] =	ssyncadd.s32 $0xFFFFF380  }
0x85: {  	_ =	swait.ge [sflag:s19], $0xC80  }
0x86: {  	[sflag:s19] =	ssyncset.done $0x0  }
0x87: {  	[sflag:s19] =	ssyncadd.s32 $0xFFFFF380  }
0x88: {  	_ =	swait.ge [sflag:s19], $0xC80  }
0x89: {  	[sflag:s19] =	ssyncset.done $0x0  }
0x8a: {  	[sflag:s19] =	ssyncadd.s32 $0xFFFFF380  }
0x8b: {  	_ =	swait.ge [sflag:s19], $0xC80  }
0x8c: {  	[sflag:s19] =	ssyncset.done $0x0  }
0x8d: {  	[sflag:s19] =	ssyncadd.s32 $0xFFFFF380  }
0x8e: {  	_ =	swait.ge [sflag:s19], $0xC80  }
0x8f: {  	[sflag:s19] =	ssyncset.done $0x0  }
0x90: {  	[sflag:s19] =	ssyncadd.s32 $0xFFFFF380  }
0x91: {  	_ =	swait.ge [sflag:s19], $0xC80  }
0x92: {  	[sflag:s19] =	ssyncset.done $0x0  }
0x93: {  	[sflag:s19] =	ssyncadd.s32 $0xFFFFF380  }
0x94: {  	_ =	swait.ge [sflag:s19], $0xC80  }
0x95: {  	[sflag:s19] =	ssyncset.done $0x0  }
0x96: {  	[sflag:s19] =	ssyncadd.s32 $0xFFFFF380  }
0x97: {  	_ =	swait.ge [sflag:s19], $0xC80  }
0x98: {  	p0 =	por $0x0, $0x0;
	s0 =	rddreg [dreg:$0x3]  }
0x99: {  	[sflag:s19] =	ssyncset.done $0x0;
	s12 =	sadd.s32 @!p0 $0x0, s0  }
0x9a: {  	s20 =	simm.s32 @!p0 $0x0;
	[sflag:s19] =	ssyncadd.s32 $0xFFFFF380;
	s16 =	sadd.s32 @!p0 $0xE0, s12  }
0x9b: {  	[tilespmem:s20], [sflag:$0x3] =	stream.linear.gather @!p0 [hbm4b:s16+s20], $0x380, $0x38;
	[tilespmem:$0x19700] =	vst v63  }
0x9c: {  	s24 =	rddreg [dreg:$0x16];
	s16 =	simm.s32 $0x700  }
0x9d: {  	[hbm4b:s24+s21] =	stream.strided.scatter [tilespmem:s16], [sflag:$0x5], $0xC80, s23, s21, $0x38;
	[tilespmem:$0x19700] =	vst v63  }
0x9e: {  	s16 =	sadd.s32 $0x380, s24  }
0x9f: {  	[hbm4b:s16+s21] =	stream.strided.scatter [tilespmem:s30], [sflag:$0x5], $0xC80, s23, s21, $0x38;
	[tilespmem:$0x19700] =	vst v63  }
0xa0: {  	s0 =	simm.s32 $0x2000;
	s16 =	sadd.s32 $0x700, s24  }
0xa1: {  	[hbm4b:s16+s21] =	stream.strided.scatter [tilespmem:s0], [sflag:$0x5], $0xC80, s23, s21, $0x38;
	[tilespmem:$0x19700] =	vst v63  }
0xa2: {  	s20 =	simm.s32 $0x2C80;
	s0 =	sadd.s32 $0xA80, s24  }
0xa3: {  	[hbm4b:s0+s21] =	stream.strided.scatter [tilespmem:s20], [sflag:$0x5], $0xC80, s23, s21, $0x38;
	[tilespmem:$0x19700] =	vst v63  }
0xa4: {  	s0 =	sadd.s32 $0xE00, s24;
	s20 =	simm.s32 $0x3900  }
0xa5: {  	[hbm4b:s0+s21] =	stream.strided.scatter [tilespmem:s20], [sflag:$0x5], $0xC80, s23, s21, $0x38;
	[tilespmem:$0x19700] =	vst v63  }
0xa6: {  	s0 =	sadd.s32 $0x1180, s24;
	s20 =	simm.s32 $0x4580  }
0xa7: {  	[hbm4b:s0+s21] =	stream.strided.scatter [tilespmem:s20], [sflag:$0x5], $0xC80, s23, s21, $0x38;
	[tilespmem:$0x19700] =	vst v63  }
0xa8: {  	s0 =	sadd.s32 $0x1500, s24;
	s20 =	simm.s32 $0x5200  }
0xa9: {  	[hbm4b:s0+s21] =	stream.strided.scatter [tilespmem:s20], [sflag:$0x5], $0xC80, s23, s21, $0x38;
	[tilespmem:$0x19700] =	vst v63  }
0xaa: {  	s0 =	sadd.s32 $0x1880, s24;
	s20 =	simm.s32 $0x5E80  }
0xab: {  	[hbm4b:s0+s21] =	stream.strided.scatter [tilespmem:s20], [sflag:$0x5], $0xC80, s23, s21, $0x38;
	[tilespmem:$0x19700] =	vst v63  }
0xac: {  	s0 =	sadd.s32 $0x1C00, s24;
	s20 =	simm.s32 $0x6B00  }
0xad: {  	[hbm4b:s0+s21] =	stream.strided.scatter [tilespmem:s20], [sflag:$0x5], $0xC80, s23, s21, $0x38;
	[tilespmem:$0x19700] =	vst v63  }
0xae: {  	s0 =	sadd.s32 $0x1F80, s24;
	s20 =	simm.s32 $0x7780  }
0xaf: {  	[hbm4b:s0+s21] =	stream.strided.scatter [tilespmem:s20], [sflag:$0x5], $0xC80, s23, s21, $0x38;
	[tilespmem:$0x19700] =	vst v63  }
0xb0: {  	s0 =	sadd.s32 $0x2300, s24;
	s20 =	simm.s32 $0x8400  }
0xb1: {  	[hbm4b:s0+s21] =	stream.strided.scatter [tilespmem:s20], [sflag:$0x5], $0xC80, s23, s21, $0x38;
	[tilespmem:$0x19700] =	vst v63  }
0xb2: {  	s0 =	sadd.s32 $0x2680, s24;
	s20 =	simm.s32 $0x9080  }
0xb3: {  	[hbm4b:s0+s21] =	stream.strided.scatter [tilespmem:s20], [sflag:$0x5], $0xC80, s23, s21, $0x38;
	[tilespmem:$0x19700] =	vst v63  }
0xb4: {  	s0 =	sadd.s32 $0x2A00, s24;
	s20 =	simm.s32 $0x9D00  }
0xb5: {  	[hbm4b:s0+s21] =	stream.strided.scatter [tilespmem:s20], [sflag:$0x5], $0xC80, s23, s21, $0x38;
	[tilespmem:$0x19700] =	vst v63  }
0xb6: {  	s0 =	sadd.s32 $0x2D80, s24;
	s20 =	simm.s32 $0xA980  }
0xb7: {  	[hbm4b:s0+s21] =	stream.strided.scatter [tilespmem:s20], [sflag:$0x5], $0xC80, s23, s21, $0x38;
	[tilespmem:$0x19700] =	vst v63  }
0xb8: {  	s0 =	sadd.s32 $0x3100, s24;
	s20 =	simm.s32 $0xB600  }
0xb9: {  	[hbm4b:s0+s21] =	stream.strided.scatter [tilespmem:s20], [sflag:$0x5], $0xC80, s23, s21, $0x38;
	[tilespmem:$0x19700] =	vst v63  }
0xba: {  	s0 =	sadd.s32 $0x3480, s24;
	s20 =	simm.s32 $0xC280  }
0xbb: {  	[hbm4b:s0+s21] =	stream.strided.scatter [tilespmem:s20], [sflag:$0x5], $0xC80, s23, s21, $0x38;
	[tilespmem:$0x19700] =	vst v63  }
0xbc: {  	_ =	swait.ge [sflag:s25], $0xC800  }
0xbd: {  	[sflag:s25] =	ssyncset.done $0x0  }
0xbe: {  	s16 =	simm.s32 @!p0 $0x3;
	[sflag:s25] =	ssyncadd.s32 $0xFFFF3800  }
0xbf: {  	_ =	swait.ge @!p0 [sflag:s16], $0x380  }
0xc0: {  	s20 =	simm.s32 @!p0 $0x700;
	[sflag:s16] =	ssyncset.done @!p0 $0x0  }
0xc1: {  	s0 =	simm.s32 @!p0 $0x0;
	[sflag:s16] =	ssyncadd.s32 @!p0 $0xFFFFFC80;
	s16 =	simm.s32 @!p0 $0x32  }
0xc2: {  	[tilespmem:s20], [sflag:$0x1] =	stream.indirect.gather @!p0 [hbm4b:s3+s16], $0x40, s0, s16, $0xb8;
	[tilespmem:$0x19700] =	vst v63  }
0xc3: {  	s30 =	simm.s32 @!p0 $0x1380;
	s20 =	simm.s32 @!p0 $0x38  }
0xc4: {  	[tilespmem:s30], [sflag:$0x1] =	stream.indirect.gather @!p0 [hbm4b:s3+s16], $0x40, s20, s16, $0xb8;
	[tilespmem:$0x19700] =	vst v63  }
0xc5: {  	s20 =	simm.s32 @!p0 $0x70;
	s30 =	simm.s32 @!p0 $0x2000  }
0xc6: {  	[tilespmem:s30], [sflag:$0x1] =	stream.indirect.gather @!p0 [hbm4b:s3+s16], $0x40, s20, s16, $0xb8;
	[tilespmem:$0x19700] =	vst v63  }
0xc7: {  	s20 =	simm.s32 @!p0 $0xA8;
	s30 =	simm.s32 @!p0 $0x2C80  }
0xc8: {  	[tilespmem:s30], [sflag:$0x1] =	stream.indirect.gather @!p0 [hbm4b:s3+s16], $0x40, s20, s16, $0xb8;
	[tilespmem:$0x19700] =	vst v63  }
0xc9: {  	s20 =	simm.s32 @!p0 $0xE0;
	s30 =	simm.s32 @!p0 $0x3900  }
0xca: {  	[tilespmem:s30], [sflag:$0x1] =	stream.indirect.gather @!p0 [hbm4b:s3+s16], $0x40, s20, s16, $0xb8;
	[tilespmem:$0x19700] =	vst v63  }
0xcb: {  	s20 =	simm.s32 @!p0 $0x118;
	s30 =	simm.s32 @!p0 $0x4580  }
0xcc: {  	[tilespmem:s30], [sflag:$0x1] =	stream.indirect.gather @!p0 [hbm4b:s3+s16], $0x40, s20, s16, $0xb8;
	[tilespmem:$0x19700] =	vst v63  }
0xcd: {  	s20 =	simm.s32 @!p0 $0x150;
	s30 =	simm.s32 @!p0 $0x5200  }
0xce: {  	[tilespmem:s30], [sflag:$0x1] =	stream.indirect.gather @!p0 [hbm4b:s3+s16], $0x40, s20, s16, $0xb8;
	[tilespmem:$0x19700] =	vst v63  }
0xcf: {  	s20 =	simm.s32 @!p0 $0x188;
	s30 =	simm.s32 @!p0 $0x5E80  }
0xd0: {  	[tilespmem:s30], [sflag:$0x1] =	stream.indirect.gather @!p0 [hbm4b:s3+s16], $0x40, s20, s16, $0xb8;
	[tilespmem:$0x19700] =	vst v63  }
0xd1: {  	s20 =	simm.s32 @!p0 $0x1C0;
	s30 =	simm.s32 @!p0 $0x6B00  }
0xd2: {  	[tilespmem:s30], [sflag:$0x1] =	stream.indirect.gather @!p0 [hbm4b:s3+s16], $0x40, s20, s16, $0xb8;
	[tilespmem:$0x19700] =	vst v63  }
0xd3: {  	s20 =	simm.s32 @!p0 $0x1F8;
	s30 =	simm.s32 @!p0 $0x7780  }
0xd4: {  	[tilespmem:s30], [sflag:$0x1] =	stream.indirect.gather @!p0 [hbm4b:s3+s16], $0x40, s20, s16, $0xb8;
	[tilespmem:$0x19700] =	vst v63  }
0xd5: {  	s20 =	simm.s32 @!p0 $0x230;
	s30 =	simm.s32 @!p0 $0x8400  }
0xd6: {  	[tilespmem:s30], [sflag:$0x1] =	stream.indirect.gather @!p0 [hbm4b:s3+s16], $0x40, s20, s16, $0xb8;
	[tilespmem:$0x19700] =	vst v63  }
0xd7: {  	s20 =	simm.s32 @!p0 $0x268;
	s30 =	simm.s32 @!p0 $0x9080  }
0xd8: {  	[tilespmem:s30], [sflag:$0x1] =	stream.indirect.gather @!p0 [hbm4b:s3+s16], $0x40, s20, s16, $0xb8;
	[tilespmem:$0x19700] =	vst v63  }
0xd9: {  	s20 =	simm.s32 @!p0 $0x2A0;
	s30 =	simm.s32 @!p0 $0x9D00  }
0xda: {  	[tilespmem:s30], [sflag:$0x1] =	stream.indirect.gather @!p0 [hbm4b:s3+s16], $0x40, s20, s16, $0xb8;
	[tilespmem:$0x19700] =	vst v63  }
0xdb: {  	s20 =	simm.s32 @!p0 $0x2D8;
	s30 =	simm.s32 @!p0 $0xA980  }
0xdc: {  	[tilespmem:s30], [sflag:$0x1] =	stream.indirect.gather @!p0 [hbm4b:s3+s16], $0x40, s20, s16, $0xb8;
	[tilespmem:$0x19700] =	vst v63  }
0xdd: {  	s20 =	simm.s32 @!p0 $0x310;
	s30 =	simm.s32 @!p0 $0xB600  }
0xde: {  	[tilespmem:s30], [sflag:$0x1] =	stream.indirect.gather @!p0 [hbm4b:s3+s16], $0x40, s20, s16, $0xb8;
	[tilespmem:$0x19700] =	vst v63  }
0xdf: {  	s20 =	simm.s32 @!p0 $0x348;
	s30 =	simm.s32 @!p0 $0xC280  }
0xe0: {  	[tilespmem:s30], [sflag:$0x1] =	stream.indirect.gather @!p0 [hbm4b:s3+s16], $0x40, s20, s16, $0xb8;
	[tilespmem:$0x19700] =	vst v63  }
0xe1: {  	_ =	swait.ge [sflag:s28], $0xC80  }
0xe2: {  	[sflag:s28] =	ssyncset.done $0x0  }
0xe3: {  	[sflag:s28] =	ssyncadd.s32 $0xFFFFF380  }
0xe4: {  	_ =	swait.ge [sflag:s28], $0xC80  }
0xe5: {  	[sflag:s28] =	ssyncset.done $0x0  }
0xe6: {  	[sflag:s28] =	ssyncadd.s32 $0xFFFFF380  }
0xe7: {  	_ =	swait.ge [sflag:s28], $0xC80  }
0xe8: {  	[sflag:s28] =	ssyncset.done $0x0  }
0xe9: {  	[sflag:s28] =	ssyncadd.s32 $0xFFFFF380  }
0xea: {  	_ =	swait.ge [sflag:s28], $0xC80  }
0xeb: {  	[sflag:s28] =	ssyncset.done $0x0  }
0xec: {  	[sflag:s28] =	ssyncadd.s32 $0xFFFFF380  }
0xed: {  	_ =	swait.ge [sflag:s28], $0xC80  }
0xee: {  	[sflag:s28] =	ssyncset.done $0x0  }
0xef: {  	[sflag:s28] =	ssyncadd.s32 $0xFFFFF380  }
0xf0: {  	_ =	swait.ge [sflag:s28], $0xC80  }
0xf1: {  	[sflag:s28] =	ssyncset.done $0x0  }
0xf2: {  	[sflag:s28] =	ssyncadd.s32 $0xFFFFF380  }
0xf3: {  	_ =	swait.ge [sflag:s28], $0xC80  }
0xf4: {  	[sflag:s28] =	ssyncset.done $0x0  }
0xf5: {  	[sflag:s28] =	ssyncadd.s32 $0xFFFFF380  }
0xf6: {  	_ =	swait.ge [sflag:s28], $0xC80  }
0xf7: {  	[sflag:s28] =	ssyncset.done $0x0  }
0xf8: {  	[sflag:s28] =	ssyncadd.s32 $0xFFFFF380  }
0xf9: {  	_ =	swait.ge [sflag:s28], $0xC80  }
0xfa: {  	[sflag:s28] =	ssyncset.done $0x0  }
0xfb: {  	[sflag:s28] =	ssyncadd.s32 $0xFFFFF380  }
0xfc: {  	_ =	swait.ge [sflag:s28], $0xC80  }
0xfd: {  	[sflag:s28] =	ssyncset.done $0x0  }
0xfe: {  	[sflag:s28] =	ssyncadd.s32 $0xFFFFF380  }
0xff: {  	_ =	swait.ge [sflag:s28], $0xC80  }
0x100: {  	[sflag:s28] =	ssyncset.done $0x0  }
0x101: {  	[sflag:s28] =	ssyncadd.s32 $0xFFFFF380  }
0x102: {  	_ =	swait.ge [sflag:s28], $0xC80  }
0x103: {  	[sflag:s28] =	ssyncset.done $0x0  }
0x104: {  	[sflag:s28] =	ssyncadd.s32 $0xFFFFF380  }
0x105: {  	_ =	swait.ge [sflag:s28], $0xC80  }
0x106: {  	[sflag:s28] =	ssyncset.done $0x0  }
0x107: {  	[sflag:s28] =	ssyncadd.s32 $0xFFFFF380  }
0x108: {  	_ =	swait.ge [sflag:s28], $0xC80  }
0x109: {  	[sflag:s28] =	ssyncset.done $0x0  }
0x10a: {  	[sflag:s28] =	ssyncadd.s32 $0xFFFFF380  }
0x10b: {  	_ =	swait.ge [sflag:s28], $0xC80  }
0x10c: {  	[sflag:s28] =	ssyncset.done $0x0  }
0x10d: {  	[sflag:s28] =	ssyncadd.s32 $0xFFFFF380  }
0x10e: {  	_ =	swait.ge [sflag:s28], $0xC80  }
0x10f: {  	s0 =	sadd.s32 @!p0 $0x150, s12;
	[sflag:s28] =	ssyncset.done $0x0  }
0x110: {  	s12 =	simm.s32 @!p0 $0x0;
	s16 =	simm.s32 @!p0 $0x380;
	[sflag:s28] =	ssyncadd.s32 $0xFFFFF380  }
0x111: {  	[tilespmem:s16], [sflag:$0x4] =	stream.linear.gather @!p0 [hbm4b:s0+s12], $0x380, $0x38;
	[tilespmem:$0x19700] =	vst v63  }
0x112: {  	s20 =	sadd.s32 $0x3800, s24  }
0x113: {  	[hbm4b:s20+s21] =	stream.strided.scatter [tilespmem:s1], [sflag:$0x5], $0xC80, s23, s21, $0x38;
	[tilespmem:$0x19700] =	vst v63  }
0x114: {  	s12 =	sadd.s32 $0x3B80, s24  }
0x115: {  	[hbm4b:s12+s21] =	stream.strided.scatter [tilespmem:s14], [sflag:$0x5], $0xC80, s23, s21, $0x38;
	[tilespmem:$0x19700] =	vst v63  }
0x116: {  	s16 =	sadd.s32 $0x3F00, s24  }
0x117: {  	[hbm4b:s16+s21] =	stream.strided.scatter [tilespmem:s18], [sflag:$0x5], $0xC80, s23, s21, $0x38;
	[tilespmem:$0x19700] =	vst v63  }
0x118: {  	s20 =	sadd.s32 $0x4280, s24  }
0x119: {  	[hbm4b:s20+s21] =	stream.strided.scatter [tilespmem:s22], [sflag:$0x5], $0xC80, s23, s21, $0x38;
	[tilespmem:$0x19700] =	vst v63  }
0x11a: {  	s12 =	sadd.s32 $0x4600, s24  }
0x11b: {  	[hbm4b:s12+s21] =	stream.strided.scatter [tilespmem:s26], [sflag:$0x5], $0xC80, s23, s21, $0x38;
	[tilespmem:$0x19700] =	vst v63  }
0x11c: {  	s16 =	sadd.s32 $0x4980, s24  }
0x11d: {  	[hbm4b:s16+s21] =	stream.strided.scatter [tilespmem:s5], [sflag:$0x5], $0xC80, s23, s21, $0x38;
	[tilespmem:$0x19700] =	vst v63  }
0x11e: {  	s20 =	sadd.s32 $0x4D00, s24  }
0x11f: {  	[hbm4b:s20+s21] =	stream.strided.scatter [tilespmem:s6], [sflag:$0x5], $0xC80, s23, s21, $0x38;
	[tilespmem:$0x19700] =	vst v63  }
0x120: {  	s12 =	sadd.s32 $0x5080, s24  }
0x121: {  	[hbm4b:s12+s21] =	stream.strided.scatter [tilespmem:s4], [sflag:$0x5], $0xC80, s23, s21, $0x38;
	[tilespmem:$0x19700] =	vst v63  }
0x122: {  	s16 =	sadd.s32 $0x5400, s24  }
0x123: {  	[hbm4b:s16+s21] =	stream.strided.scatter [tilespmem:s2], [sflag:$0x5], $0xC80, s23, s21, $0x38;
	[tilespmem:$0x19700] =	vst v63  }
0x124: {  	s20 =	sadd.s32 $0x5780, s24  }
0x125: {  	[hbm4b:s20+s21] =	stream.strided.scatter [tilespmem:s9], [sflag:$0x5], $0xC80, s23, s21, $0x38;
	[tilespmem:$0x19700] =	vst v63  }
0x126: {  	s12 =	sadd.s32 $0x5B00, s24  }
0x127: {  	[hbm4b:s12+s21] =	stream.strided.scatter [tilespmem:s7], [sflag:$0x5], $0xC80, s23, s21, $0x38;
	[tilespmem:$0x19700] =	vst v63  }
0x128: {  	s16 =	sadd.s32 $0x5E80, s24  }
0x129: {  	[hbm4b:s16+s21] =	stream.strided.scatter [tilespmem:s8], [sflag:$0x5], $0xC80, s23, s21, $0x38;
	[tilespmem:$0x19700] =	vst v63  }
0x12a: {  	s20 =	sadd.s32 $0x6200, s24  }
0x12b: {  	[hbm4b:s20+s21] =	stream.strided.scatter [tilespmem:s11], [sflag:$0x5], $0xC80, s23, s21, $0x38;
	[tilespmem:$0x19700] =	vst v63  }
0x12c: {  	s12 =	sadd.s32 $0x6580, s24  }
0x12d: {  	[hbm4b:s12+s21] =	stream.strided.scatter [tilespmem:s13], [sflag:$0x5], $0xC80, s23, s21, $0x38;
	[tilespmem:$0x19700] =	vst v63  }
0x12e: {  	s16 =	sadd.s32 $0x6900, s24  }
0x12f: {  	[hbm4b:s16+s21] =	stream.strided.scatter [tilespmem:s15], [sflag:$0x5], $0xC80, s23, s21, $0x38;
	[tilespmem:$0x19700] =	vst v63  }
0x130: {  	s20 =	sadd.s32 $0x6C80, s24  }
0x131: {  	[hbm4b:s20+s21] =	stream.strided.scatter [tilespmem:s17], [sflag:$0x5], $0xC80, s23, s21, $0x38;
	[tilespmem:$0x19700] =	vst v63  }
0x132: {  	_ =	swait.ge [sflag:s25], $0xC800  }
0x133: {  	s30 =	simm.s32 $0xE0;
	s0 =	smov.u32 s24;
	[sflag:s25] =	ssyncset.done $0x0  }
.LBB2_2:
0x134: {  	[sflag:s25] =	ssyncadd.s32 $0xFFFF3800  }
0x135: {  	_ =	swait.ge [sflag:s31], $0x380  }
0x136: {  	[sflag:s31] =	ssyncset.done $0x0  }
0x137: {  	[sflag:s31] =	ssyncadd.s32 $0xFFFFFC80  }
0x138: {  	[tilespmem:s1], [sflag:$0x2] =	stream.indirect.gather [hbm4b:s3+s10], $0x40, s29, s10, $0xb8;
	[tilespmem:$0x19700] =	vst v63  }
0x139: {  	s16 =	rddreg [dreg:$0x4]  }
0x13a: {  	[tilespmem:s14], [sflag:$0x2] =	stream.indirect.gather [hbm4b:s3+s10], $0x40, s16, s10, $0xb8;
	[tilespmem:$0x19700] =	vst v63  }
0x13b: {  	s20 =	rddreg [dreg:$0x5]  }
0x13c: {  	[tilespmem:s18], [sflag:$0x2] =	stream.indirect.gather [hbm4b:s3+s10], $0x40, s20, s10, $0xb8;
	[tilespmem:$0x19700] =	vst v63  }
0x13d: {  	s24 =	rddreg [dreg:$0x6]  }
0x13e: {  	[tilespmem:s22], [sflag:$0x2] =	stream.indirect.gather [hbm4b:s3+s10], $0x40, s24, s10, $0xb8;
	[tilespmem:$0x19700] =	vst v63  }
0x13f: {  	s20 =	rddreg [dreg:$0x7]  }
0x140: {  	[tilespmem:s26], [sflag:$0x2] =	stream.indirect.gather [hbm4b:s3+s10], $0x40, s20, s10, $0xb8;
	[tilespmem:$0x19700] =	vst v63  }
0x141: {  	s24 =	rddreg [dreg:$0x8]  }
0x142: {  	[tilespmem:s5], [sflag:$0x2] =	stream.indirect.gather [hbm4b:s3+s10], $0x40, s24, s10, $0xb8;
	[tilespmem:$0x19700] =	vst v63  }
0x143: {  	s20 =	rddreg [dreg:$0x9]  }
0x144: {  	[tilespmem:s6], [sflag:$0x2] =	stream.indirect.gather [hbm4b:s3+s10], $0x40, s20, s10, $0xb8;
	[tilespmem:$0x19700] =	vst v63  }
0x145: {  	s24 =	rddreg [dreg:$0xa]  }
0x146: {  	[tilespmem:s4], [sflag:$0x2] =	stream.indirect.gather [hbm4b:s3+s10], $0x40, s24, s10, $0xb8;
	[tilespmem:$0x19700] =	vst v63  }
0x147: {  	s20 =	rddreg [dreg:$0xb]  }
0x148: {  	[tilespmem:s2], [sflag:$0x2] =	stream.indirect.gather [hbm4b:s3+s10], $0x40, s20, s10, $0xb8;
	[tilespmem:$0x19700] =	vst v63  }
0x149: {  	s24 =	rddreg [dreg:$0xc]  }
0x14a: {  	[tilespmem:s9], [sflag:$0x2] =	stream.indirect.gather [hbm4b:s3+s10], $0x40, s24, s10, $0xb8;
	[tilespmem:$0x19700] =	vst v63  }
0x14b: {  	s20 =	rddreg [dreg:$0xd]  }
0x14c: {  	[tilespmem:s7], [sflag:$0x2] =	stream.indirect.gather [hbm4b:s3+s10], $0x40, s20, s10, $0xb8;
	[tilespmem:$0x19700] =	vst v63  }
0x14d: {  	s24 =	rddreg [dreg:$0xe]  }
0x14e: {  	[tilespmem:s8], [sflag:$0x2] =	stream.indirect.gather [hbm4b:s3+s10], $0x40, s24, s10, $0xb8;
	[tilespmem:$0x19700] =	vst v63  }
0x14f: {  	s20 =	rddreg [dreg:$0xf]  }
0x150: {  	[tilespmem:s11], [sflag:$0x2] =	stream.indirect.gather [hbm4b:s3+s10], $0x40, s20, s10, $0xb8;
	[tilespmem:$0x19700] =	vst v63  }
0x151: {  	s24 =	rddreg [dreg:$0x10]  }
0x152: {  	[tilespmem:s13], [sflag:$0x2] =	stream.indirect.gather [hbm4b:s3+s10], $0x40, s24, s10, $0xb8;
	[tilespmem:$0x19700] =	vst v63  }
0x153: {  	s20 =	rddreg [dreg:$0x11]  }
0x154: {  	[tilespmem:s15], [sflag:$0x2] =	stream.indirect.gather [hbm4b:s3+s10], $0x40, s20, s10, $0xb8;
	[tilespmem:$0x19700] =	vst v63  }
0x155: {  	s24 =	rddreg [dreg:$0x12]  }
0x156: {  	[tilespmem:s17], [sflag:$0x2] =	stream.indirect.gather [hbm4b:s3+s10], $0x40, s24, s10, $0xb8;
	[tilespmem:$0x19700] =	vst v63  }
0x157: {  	_ =	swait.ge [sflag:s19], $0xC80  }
0x158: {  	[sflag:s19] =	ssyncset.done $0x0  }
0x159: {  	[sflag:s19] =	ssyncadd.s32 $0xFFFFF380  }
0x15a: {  	_ =	swait.ge [sflag:s19], $0xC80  }
0x15b: {  	[sflag:s19] =	ssyncset.done $0x0  }
0x15c: {  	[sflag:s19] =	ssyncadd.s32 $0xFFFFF380  }
0x15d: {  	_ =	swait.ge [sflag:s19], $0xC80  }
0x15e: {  	[sflag:s19] =	ssyncset.done $0x0  }
0x15f: {  	[sflag:s19] =	ssyncadd.s32 $0xFFFFF380  }
0x160: {  	_ =	swait.ge [sflag:s19], $0xC80  }
0x161: {  	[sflag:s19] =	ssyncset.done $0x0  }
0x162: {  	[sflag:s19] =	ssyncadd.s32 $0xFFFFF380  }
0x163: {  	_ =	swait.ge [sflag:s19], $0xC80  }
0x164: {  	[sflag:s19] =	ssyncset.done $0x0  }
0x165: {  	[sflag:s19] =	ssyncadd.s32 $0xFFFFF380  }
0x166: {  	_ =	swait.ge [sflag:s19], $0xC80  }
0x167: {  	[sflag:s19] =	ssyncset.done $0x0  }
0x168: {  	[sflag:s19] =	ssyncadd.s32 $0xFFFFF380  }
0x169: {  	_ =	swait.ge [sflag:s19], $0xC80  }
0x16a: {  	[sflag:s19] =	ssyncset.done $0x0  }
0x16b: {  	[sflag:s19] =	ssyncadd.s32 $0xFFFFF380  }
0x16c: {  	_ =	swait.ge [sflag:s19], $0xC80  }
0x16d: {  	[sflag:s19] =	ssyncset.done $0x0  }
0x16e: {  	[sflag:s19] =	ssyncadd.s32 $0xFFFFF380  }
0x16f: {  	_ =	swait.ge [sflag:s19], $0xC80  }
0x170: {  	[sflag:s19] =	ssyncset.done $0x0  }
0x171: {  	[sflag:s19] =	ssyncadd.s32 $0xFFFFF380  }
0x172: {  	_ =	swait.ge [sflag:s19], $0xC80  }
0x173: {  	[sflag:s19] =	ssyncset.done $0x0  }
0x174: {  	[sflag:s19] =	ssyncadd.s32 $0xFFFFF380  }
0x175: {  	_ =	swait.ge [sflag:s19], $0xC80  }
0x176: {  	[sflag:s19] =	ssyncset.done $0x0  }
0x177: {  	[sflag:s19] =	ssyncadd.s32 $0xFFFFF380  }
0x178: {  	_ =	swait.ge [sflag:s19], $0xC80  }
0x179: {  	[sflag:s19] =	ssyncset.done $0x0  }
0x17a: {  	[sflag:s19] =	ssyncadd.s32 $0xFFFFF380  }
0x17b: {  	_ =	swait.ge [sflag:s19], $0xC80  }
0x17c: {  	[sflag:s19] =	ssyncset.done $0x0  }
0x17d: {  	[sflag:s19] =	ssyncadd.s32 $0xFFFFF380  }
0x17e: {  	_ =	swait.ge [sflag:s19], $0xC80  }
0x17f: {  	[sflag:s19] =	ssyncset.done $0x0  }
0x180: {  	[sflag:s19] =	ssyncadd.s32 $0xFFFFF380  }
0x181: {  	_ =	swait.ge [sflag:s19], $0xC80  }
0x182: {  	[sflag:s19] =	ssyncset.done $0x0  }
0x183: {  	[sflag:s19] =	ssyncadd.s32 $0xFFFFF380  }
0x184: {  	s12 =	smov.u32 s30;
	_ =	swait.ge [sflag:s19], $0xC80  }
0x185: {  	p1 =	seq.s32 s12, $0xD20;
	s16 =	rddreg [dreg:$0x3]  }
0x186: {  	[sflag:s19] =	ssyncset.done $0x0;
	s16 =	sadd.s32 @!p1 s12, s16  }
0x187: {  	[sflag:s19] =	ssyncadd.s32 $0xFFFFF380;
	s12 =	simm.s32 @!p1 $0x0;
	s20 =	sadd.s32 @!p1 $0xE0, s16  }
0x188: {  	[tilespmem:s12], [sflag:$0x3] =	stream.linear.gather @!p1 [hbm4b:s20+s12], $0x380, $0x38;
	[tilespmem:$0x19700] =	vst v63  }
0x189: {  	s0 =	sadd.s32 $0x7000, s0;
	s24 =	simm.s32 $0x700  }
0x18a: {  	[hbm4b:s0+s21] =	stream.strided.scatter [tilespmem:s24], [sflag:$0x5], $0xC80, s23, s21, $0x38;
	[tilespmem:$0x19700] =	vst v63  }
0x18b: {  	s20 =	sadd.s32 $0x380, s0;
	s24 =	simm.s32 $0x1380  }
0x18c: {  	[hbm4b:s20+s21] =	stream.strided.scatter [tilespmem:s24], [sflag:$0x5], $0xC80, s23, s21, $0x38;
	[tilespmem:$0x19700] =	vst v63  }
0x18d: {  	s20 =	sadd.s32 $0x700, s0;
	s24 =	simm.s32 $0x2000  }
0x18e: {  	[hbm4b:s20+s21] =	stream.strided.scatter [tilespmem:s24], [sflag:$0x5], $0xC80, s23, s21, $0x38;
	[tilespmem:$0x19700] =	vst v63  }
0x18f: {  	s20 =	sadd.s32 $0xA80, s0;
	s24 =	simm.s32 $0x2C80  }
0x190: {  	[hbm4b:s20+s21] =	stream.strided.scatter [tilespmem:s24], [sflag:$0x5], $0xC80, s23, s21, $0x38;
	[tilespmem:$0x19700] =	vst v63  }
0x191: {  	s20 =	sadd.s32 $0xE00, s0;
	s24 =	simm.s32 $0x3900  }
0x192: {  	[hbm4b:s20+s21] =	stream.strided.scatter [tilespmem:s24], [sflag:$0x5], $0xC80, s23, s21, $0x38;
	[tilespmem:$0x19700] =	vst v63  }
0x193: {  	s20 =	sadd.s32 $0x1180, s0;
	s24 =	simm.s32 $0x4580  }
0x194: {  	[hbm4b:s20+s21] =	stream.strided.scatter [tilespmem:s24], [sflag:$0x5], $0xC80, s23, s21, $0x38;
	[tilespmem:$0x19700] =	vst v63  }
0x195: {  	s20 =	sadd.s32 $0x1500, s0;
	s24 =	simm.s32 $0x5200  }
0x196: {  	[hbm4b:s20+s21] =	stream.strided.scatter [tilespmem:s24], [sflag:$0x5], $0xC80, s23, s21, $0x38;
	[tilespmem:$0x19700] =	vst v63  }
0x197: {  	s20 =	sadd.s32 $0x1880, s0;
	s24 =	simm.s32 $0x5E80  }
0x198: {  	[hbm4b:s20+s21] =	stream.strided.scatter [tilespmem:s24], [sflag:$0x5], $0xC80, s23, s21, $0x38;
	[tilespmem:$0x19700] =	vst v63  }
0x199: {  	s20 =	sadd.s32 $0x1C00, s0;
	s24 =	simm.s32 $0x6B00  }
0x19a: {  	[hbm4b:s20+s21] =	stream.strided.scatter [tilespmem:s24], [sflag:$0x5], $0xC80, s23, s21, $0x38;
	[tilespmem:$0x19700] =	vst v63  }
0x19b: {  	s20 =	sadd.s32 $0x1F80, s0;
	s24 =	simm.s32 $0x7780  }
0x19c: {  	[hbm4b:s20+s21] =	stream.strided.scatter [tilespmem:s24], [sflag:$0x5], $0xC80, s23, s21, $0x38;
	[tilespmem:$0x19700] =	vst v63  }
0x19d: {  	s20 =	sadd.s32 $0x2300, s0;
	s24 =	simm.s32 $0x8400  }
0x19e: {  	[hbm4b:s20+s21] =	stream.strided.scatter [tilespmem:s24], [sflag:$0x5], $0xC80, s23, s21, $0x38;
	[tilespmem:$0x19700] =	vst v63  }
0x19f: {  	s20 =	sadd.s32 $0x2680, s0;
	s24 =	simm.s32 $0x9080  }
0x1a0: {  	[hbm4b:s20+s21] =	stream.strided.scatter [tilespmem:s24], [sflag:$0x5], $0xC80, s23, s21, $0x38;
	[tilespmem:$0x19700] =	vst v63  }
0x1a1: {  	s20 =	sadd.s32 $0x2A00, s0;
	s24 =	simm.s32 $0x9D00  }
0x1a2: {  	[hbm4b:s20+s21] =	stream.strided.scatter [tilespmem:s24], [sflag:$0x5], $0xC80, s23, s21, $0x38;
	[tilespmem:$0x19700] =	vst v63  }
0x1a3: {  	s20 =	sadd.s32 $0x2D80, s0;
	s24 =	simm.s32 $0xA980  }
0x1a4: {  	[hbm4b:s20+s21] =	stream.strided.scatter [tilespmem:s24], [sflag:$0x5], $0xC80, s23, s21, $0x38;
	[tilespmem:$0x19700] =	vst v63  }
0x1a5: {  	s20 =	sadd.s32 $0x3100, s0;
	s24 =	simm.s32 $0xB600  }
0x1a6: {  	[hbm4b:s20+s21] =	stream.strided.scatter [tilespmem:s24], [sflag:$0x5], $0xC80, s23, s21, $0x38;
	[tilespmem:$0x19700] =	vst v63  }
0x1a7: {  	s20 =	sadd.s32 $0x3480, s0;
	s24 =	simm.s32 $0xC280  }
0x1a8: {  	[hbm4b:s20+s21] =	stream.strided.scatter [tilespmem:s24], [sflag:$0x5], $0xC80, s23, s21, $0x38;
	[tilespmem:$0x19700] =	vst v63  }
0x1a9: {  	_ =	swait.ge [sflag:s25], $0xC800  }
0x1aa: {  	[sflag:s25] =	ssyncset.done $0x0  }
0x1ab: {  	s20 =	simm.s32 @!p1 $0x3;
	[sflag:s25] =	ssyncadd.s32 $0xFFFF3800  }
0x1ac: {  	_ =	swait.ge @!p1 [sflag:s20], $0x380  }
0x1ad: {  	[sflag:s20] =	ssyncset.done @!p1 $0x0  }
0x1ae: {  	s24 =	simm.s32 @!p1 $0x700;
	[sflag:s20] =	ssyncadd.s32 @!p1 $0xFFFFFC80;
	s20 =	simm.s32 @!p1 $0x32  }
0x1af: {  	[tilespmem:s24], [sflag:$0x1] =	stream.indirect.gather @!p1 [hbm4b:s3+s20], $0x40, s12, s20, $0xb8;
	[tilespmem:$0x19700] =	vst v63  }
0x1b0: {  	s29 =	simm.s32 @!p1 $0x1380;
	s24 =	simm.s32 @!p1 $0x38  }
0x1b1: {  	[tilespmem:s29], [sflag:$0x1] =	stream.indirect.gather @!p1 [hbm4b:s3+s20], $0x40, s24, s20, $0xb8;
	[tilespmem:$0x19700] =	vst v63  }
0x1b2: {  	s24 =	simm.s32 @!p1 $0x70;
	s29 =	simm.s32 @!p1 $0x2000  }
0x1b3: {  	[tilespmem:s29], [sflag:$0x1] =	stream.indirect.gather @!p1 [hbm4b:s3+s20], $0x40, s24, s20, $0xb8;
	[tilespmem:$0x19700] =	vst v63  }
0x1b4: {  	s24 =	simm.s32 @!p1 $0xA8;
	s29 =	simm.s32 @!p1 $0x2C80  }
0x1b5: {  	[tilespmem:s29], [sflag:$0x1] =	stream.indirect.gather @!p1 [hbm4b:s3+s20], $0x40, s24, s20, $0xb8;
	[tilespmem:$0x19700] =	vst v63  }
0x1b6: {  	s24 =	simm.s32 @!p1 $0xE0;
	s29 =	simm.s32 @!p1 $0x3900  }
0x1b7: {  	[tilespmem:s29], [sflag:$0x1] =	stream.indirect.gather @!p1 [hbm4b:s3+s20], $0x40, s24, s20, $0xb8;
	[tilespmem:$0x19700] =	vst v63  }
0x1b8: {  	s24 =	simm.s32 @!p1 $0x118;
	s29 =	simm.s32 @!p1 $0x4580  }
0x1b9: {  	[tilespmem:s29], [sflag:$0x1] =	stream.indirect.gather @!p1 [hbm4b:s3+s20], $0x40, s24, s20, $0xb8;
	[tilespmem:$0x19700] =	vst v63  }
0x1ba: {  	s24 =	simm.s32 @!p1 $0x150;
	s29 =	simm.s32 @!p1 $0x5200  }
0x1bb: {  	[tilespmem:s29], [sflag:$0x1] =	stream.indirect.gather @!p1 [hbm4b:s3+s20], $0x40, s24, s20, $0xb8;
	[tilespmem:$0x19700] =	vst v63  }
0x1bc: {  	s24 =	simm.s32 @!p1 $0x188;
	s29 =	simm.s32 @!p1 $0x5E80  }
0x1bd: {  	[tilespmem:s29], [sflag:$0x1] =	stream.indirect.gather @!p1 [hbm4b:s3+s20], $0x40, s24, s20, $0xb8;
	[tilespmem:$0x19700] =	vst v63  }
0x1be: {  	s24 =	simm.s32 @!p1 $0x1C0;
	s29 =	simm.s32 @!p1 $0x6B00  }
0x1bf: {  	[tilespmem:s29], [sflag:$0x1] =	stream.indirect.gather @!p1 [hbm4b:s3+s20], $0x40, s24, s20, $0xb8;
	[tilespmem:$0x19700] =	vst v63  }
0x1c0: {  	s24 =	simm.s32 @!p1 $0x1F8;
	s29 =	simm.s32 @!p1 $0x7780  }
0x1c1: {  	[tilespmem:s29], [sflag:$0x1] =	stream.indirect.gather @!p1 [hbm4b:s3+s20], $0x40, s24, s20, $0xb8;
	[tilespmem:$0x19700] =	vst v63  }
0x1c2: {  	s24 =	simm.s32 @!p1 $0x230;
	s29 =	simm.s32 @!p1 $0x8400  }
0x1c3: {  	[tilespmem:s29], [sflag:$0x1] =	stream.indirect.gather @!p1 [hbm4b:s3+s20], $0x40, s24, s20, $0xb8;
	[tilespmem:$0x19700] =	vst v63  }
0x1c4: {  	s24 =	simm.s32 @!p1 $0x268;
	s29 =	simm.s32 @!p1 $0x9080  }
0x1c5: {  	[tilespmem:s29], [sflag:$0x1] =	stream.indirect.gather @!p1 [hbm4b:s3+s20], $0x40, s24, s20, $0xb8;
	[tilespmem:$0x19700] =	vst v63  }
0x1c6: {  	s24 =	simm.s32 @!p1 $0x2A0;
	s29 =	simm.s32 @!p1 $0x9D00  }
0x1c7: {  	[tilespmem:s29], [sflag:$0x1] =	stream.indirect.gather @!p1 [hbm4b:s3+s20], $0x40, s24, s20, $0xb8;
	[tilespmem:$0x19700] =	vst v63  }
0x1c8: {  	s24 =	simm.s32 @!p1 $0x2D8;
	s29 =	simm.s32 @!p1 $0xA980  }
0x1c9: {  	[tilespmem:s29], [sflag:$0x1] =	stream.indirect.gather @!p1 [hbm4b:s3+s20], $0x40, s24, s20, $0xb8;
	[tilespmem:$0x19700] =	vst v63  }
0x1ca: {  	s24 =	simm.s32 @!p1 $0x310;
	s29 =	simm.s32 @!p1 $0xB600  }
0x1cb: {  	[tilespmem:s29], [sflag:$0x1] =	stream.indirect.gather @!p1 [hbm4b:s3+s20], $0x40, s24, s20, $0xb8;
	[tilespmem:$0x19700] =	vst v63  }
0x1cc: {  	s24 =	simm.s32 @!p1 $0x348;
	s29 =	simm.s32 @!p1 $0xC280  }
0x1cd: {  	[tilespmem:s29], [sflag:$0x1] =	stream.indirect.gather @!p1 [hbm4b:s3+s20], $0x40, s24, s20, $0xb8;
	[tilespmem:$0x19700] =	vst v63  }
0x1ce: {  	_ =	swait.ge [sflag:s28], $0xC80  }
0x1cf: {  	[sflag:s28] =	ssyncset.done $0x0  }
0x1d0: {  	[sflag:s28] =	ssyncadd.s32 $0xFFFFF380  }
0x1d1: {  	_ =	swait.ge [sflag:s28], $0xC80  }
0x1d2: {  	[sflag:s28] =	ssyncset.done $0x0  }
0x1d3: {  	[sflag:s28] =	ssyncadd.s32 $0xFFFFF380  }
0x1d4: {  	_ =	swait.ge [sflag:s28], $0xC80  }
0x1d5: {  	[sflag:s28] =	ssyncset.done $0x0  }
0x1d6: {  	[sflag:s28] =	ssyncadd.s32 $0xFFFFF380  }
0x1d7: {  	_ =	swait.ge [sflag:s28], $0xC80  }
0x1d8: {  	[sflag:s28] =	ssyncset.done $0x0  }
0x1d9: {  	[sflag:s28] =	ssyncadd.s32 $0xFFFFF380  }
0x1da: {  	_ =	swait.ge [sflag:s28], $0xC80  }
0x1db: {  	[sflag:s28] =	ssyncset.done $0x0  }
0x1dc: {  	[sflag:s28] =	ssyncadd.s32 $0xFFFFF380  }
0x1dd: {  	_ =	swait.ge [sflag:s28], $0xC80  }
0x1de: {  	[sflag:s28] =	ssyncset.done $0x0  }
0x1df: {  	[sflag:s28] =	ssyncadd.s32 $0xFFFFF380  }
0x1e0: {  	_ =	swait.ge [sflag:s28], $0xC80  }
0x1e1: {  	[sflag:s28] =	ssyncset.done $0x0  }
0x1e2: {  	[sflag:s28] =	ssyncadd.s32 $0xFFFFF380  }
0x1e3: {  	_ =	swait.ge [sflag:s28], $0xC80  }
0x1e4: {  	[sflag:s28] =	ssyncset.done $0x0  }
0x1e5: {  	[sflag:s28] =	ssyncadd.s32 $0xFFFFF380  }
0x1e6: {  	_ =	swait.ge [sflag:s28], $0xC80  }
0x1e7: {  	[sflag:s28] =	ssyncset.done $0x0  }
0x1e8: {  	[sflag:s28] =	ssyncadd.s32 $0xFFFFF380  }
0x1e9: {  	_ =	swait.ge [sflag:s28], $0xC80  }
0x1ea: {  	[sflag:s28] =	ssyncset.done $0x0  }
0x1eb: {  	[sflag:s28] =	ssyncadd.s32 $0xFFFFF380  }
0x1ec: {  	_ =	swait.ge [sflag:s28], $0xC80  }
0x1ed: {  	[sflag:s28] =	ssyncset.done $0x0  }
0x1ee: {  	[sflag:s28] =	ssyncadd.s32 $0xFFFFF380  }
0x1ef: {  	_ =	swait.ge [sflag:s28], $0xC80  }
0x1f0: {  	[sflag:s28] =	ssyncset.done $0x0  }
0x1f1: {  	[sflag:s28] =	ssyncadd.s32 $0xFFFFF380  }
0x1f2: {  	_ =	swait.ge [sflag:s28], $0xC80  }
0x1f3: {  	[sflag:s28] =	ssyncset.done $0x0  }
0x1f4: {  	[sflag:s28] =	ssyncadd.s32 $0xFFFFF380  }
0x1f5: {  	_ =	swait.ge [sflag:s28], $0xC80  }
0x1f6: {  	[sflag:s28] =	ssyncset.done $0x0  }
0x1f7: {  	[sflag:s28] =	ssyncadd.s32 $0xFFFFF380  }
0x1f8: {  	_ =	swait.ge [sflag:s28], $0xC80  }
0x1f9: {  	[sflag:s28] =	ssyncset.done $0x0  }
0x1fa: {  	[sflag:s28] =	ssyncadd.s32 $0xFFFFF380  }
0x1fb: {  	_ =	swait.ge [sflag:s28], $0xC80  }
0x1fc: {  	[sflag:s28] =	ssyncset.done $0x0  }
0x1fd: {  	s16 =	sadd.s32 @!p1 $0x150, s16;
	s20 =	simm.s32 @!p1 $0x380;
	[sflag:s28] =	ssyncadd.s32 $0xFFFFF380  }
0x1fe: {  	[tilespmem:s20], [sflag:$0x4] =	stream.linear.gather @!p1 [hbm4b:s16+s12], $0x380, $0x38;
	[tilespmem:$0x19700] =	vst v63  }
0x1ff: {  	s24 =	sadd.s32 $0x3800, s0  }
0x200: {  	[hbm4b:s24+s21] =	stream.strided.scatter [tilespmem:s1], [sflag:$0x5], $0xC80, s23, s21, $0x38;
	[tilespmem:$0x19700] =	vst v63  }
0x201: {  	s16 =	sadd.s32 $0x3B80, s0  }
0x202: {  	[hbm4b:s16+s21] =	stream.strided.scatter [tilespmem:s14], [sflag:$0x5], $0xC80, s23, s21, $0x38;
	[tilespmem:$0x19700] =	vst v63  }
0x203: {  	s20 =	sadd.s32 $0x3F00, s0  }
0x204: {  	[hbm4b:s20+s21] =	stream.strided.scatter [tilespmem:s18], [sflag:$0x5], $0xC80, s23, s21, $0x38;
	[tilespmem:$0x19700] =	vst v63  }
0x205: {  	s24 =	sadd.s32 $0x4280, s0  }
0x206: {  	[hbm4b:s24+s21] =	stream.strided.scatter [tilespmem:s22], [sflag:$0x5], $0xC80, s23, s21, $0x38;
	[tilespmem:$0x19700] =	vst v63  }
0x207: {  	s16 =	sadd.s32 $0x4600, s0  }
0x208: {  	[hbm4b:s16+s21] =	stream.strided.scatter [tilespmem:s26], [sflag:$0x5], $0xC80, s23, s21, $0x38;
	[tilespmem:$0x19700] =	vst v63  }
0x209: {  	s20 =	sadd.s32 $0x4980, s0  }
0x20a: {  	[hbm4b:s20+s21] =	stream.strided.scatter [tilespmem:s5], [sflag:$0x5], $0xC80, s23, s21, $0x38;
	[tilespmem:$0x19700] =	vst v63  }
0x20b: {  	s24 =	sadd.s32 $0x4D00, s0  }
0x20c: {  	[hbm4b:s24+s21] =	stream.strided.scatter [tilespmem:s6], [sflag:$0x5], $0xC80, s23, s21, $0x38;
	[tilespmem:$0x19700] =	vst v63  }
0x20d: {  	s16 =	sadd.s32 $0x5080, s0  }
0x20e: {  	[hbm4b:s16+s21] =	stream.strided.scatter [tilespmem:s4], [sflag:$0x5], $0xC80, s23, s21, $0x38;
	[tilespmem:$0x19700] =	vst v63  }
0x20f: {  	s20 =	sadd.s32 $0x5400, s0  }
0x210: {  	[hbm4b:s20+s21] =	stream.strided.scatter [tilespmem:s2], [sflag:$0x5], $0xC80, s23, s21, $0x38;
	[tilespmem:$0x19700] =	vst v63  }
0x211: {  	s24 =	sadd.s32 $0x5780, s0  }
0x212: {  	[hbm4b:s24+s21] =	stream.strided.scatter [tilespmem:s9], [sflag:$0x5], $0xC80, s23, s21, $0x38;
	[tilespmem:$0x19700] =	vst v63  }
0x213: {  	s16 =	sadd.s32 $0x5B00, s0  }
0x214: {  	[hbm4b:s16+s21] =	stream.strided.scatter [tilespmem:s7], [sflag:$0x5], $0xC80, s23, s21, $0x38;
	[tilespmem:$0x19700] =	vst v63  }
0x215: {  	s20 =	sadd.s32 $0x5E80, s0  }
0x216: {  	[hbm4b:s20+s21] =	stream.strided.scatter [tilespmem:s8], [sflag:$0x5], $0xC80, s23, s21, $0x38;
	[tilespmem:$0x19700] =	vst v63  }
0x217: {  	s24 =	sadd.s32 $0x6200, s0  }
0x218: {  	[hbm4b:s24+s21] =	stream.strided.scatter [tilespmem:s11], [sflag:$0x5], $0xC80, s23, s21, $0x38;
	[tilespmem:$0x19700] =	vst v63  }
0x219: {  	s30 =	sadd.s32 $0xE0, s30;
	s16 =	sadd.s32 $0x6580, s0  }
0x21a: {  	[hbm4b:s16+s21] =	stream.strided.scatter [tilespmem:s13], [sflag:$0x5], $0xC80, s23, s21, $0x38;
	[tilespmem:$0x19700] =	vst v63  }
0x21b: {  	p0 =	sne.s32 s30, $0xE00;
	s20 =	sadd.s32 $0x6900, s0  }
0x21c: {  	[hbm4b:s20+s21] =	stream.strided.scatter [tilespmem:s15], [sflag:$0x5], $0xC80, s23, s21, $0x38;
	[tilespmem:$0x19700] =	vst v63  }
.Ltmp0:
0x21d: {  	_ = 	snop;
	(pc) =	sbr.rel @p0 .LBB2_2-.Ltmp0, $4  }
0x21e: {  	s24 =	sadd.s32 $0x6C80, s0  }
0x21f: {  	[hbm4b:s24+s21] =	stream.strided.scatter [tilespmem:s17], [sflag:$0x5], $0xC80, s23, s21, $0x38;
	[tilespmem:$0x19700] =	vst v63  }
0x220: {  	_ =	swait.ge [sflag:s25], $0xC800  }
0x221: {  	s29 =	simm.s32 $0x380;
	[sflag:s25] =	ssyncset.done $0x0  }
0x222: {  	s12 =	rddreg [dreg:$0x17]  }
0x223: {  	s0 =	rddreg [dreg:$0x15];
	s12 =	sadd.s32 $0x1, s12  }
0x224: {  	p0 =	sne.s32 s12, s0  }
.Ltmp1:
0x225: {  	_ = 	snop;
	(pc) =	sbr.rel @p0 .LBB2_1-.Ltmp1, $3  }
0x226: {  	_ =	sdelay $0x1  }
0x227: {  	[sflag:s25] =	ssyncadd.s32 $0xFFFF3800;
	s20 =	simm.s32 $0x700  }
0x228: {  	s30 =	simm.s32 $0x1380;
	s16 =	simm.s32 $0x2000;
	s24 =	simm.s32 $0x2C80  }
0x229: {  	_ =	sfence.sel $0x180000  }
0x22a: {  	[bflag:$0x0] =	sbarrier.arrive $0xFFFF  }
0x22b: {  	_ =	strace $0x90000047  }
0x22c: {  	s0 =	stileid.u32;
	[bflag:$0x2] =	sbarrier.arrive $0xFFFF  }
0x22d: {  	p0 =	sne.s32 s0, $0x0;
	s0 =	rddreg [dreg:$0x2]  }
0x22e: {  	s0 =	sadd.s32 @!p0 $0x100000, s0  }
0x22f: {  	[sflag:s0] =	ssyncadd.tile.s32 @!p0 $0x1;
	_ =	shalt  }
.Lfunc_end2:
_tile_overlayer_lowered:
.L_overlay_start_2:
0x230: {  	(tag) =	ssettag $0x2  }
0x231: {  	s0 =	rddreg [dreg:$0x0];
	s2 =	stileid.u32  }
0x232: {  	s1 =	rddreg [dreg:$0x1];
	p0 =	sne.s32 s2, $0x0  }
0x233: {  	s3 =	rddreg [dreg:$0x2];
	[bflag:$0x3] =	sbarrier.arrive $0xFFFF;
	s2 =	simm.s32 @!p0 $0x1C05  }
0x234: {  	[timem:s3], [sflag:s2] =	dma.local @!p0 [hbm:s0], s1  }
0x235: {  	s0 =	simm.s32 @!p0 $0x5  }
0x236: {  	_ =	swait.ge @!p0 [sflag:s0], s1  }
0x237: {  	s1 =	ssub.s32 @!p0 $0x0, s1;
	[sflag:s0] =	ssyncset.done @!p0 $0x0  }
0x238: {  	[sflag:s0] =	ssyncadd.s32 @!p0 s1  }
0x239: {  	[bflag:$0x3] =	sbarrier.arrive $0xFFFF  }
0x23a: {  	_ =	shalt  }

// kernel: sparse-core-data-format-call.cloned.1.call-start
scs
called_computation_lowered:
.L_overlay_start_0:
0x0: {  	s2 =	sld [smem:$0x3FD9]  }
0x1: {  	s3 =	sld [smem:$0x3FFE];
	_ =	sdelay $0x1  }
0x2: {  	s1 =	srdreg.scid  }
0x3: {  	s0 =	sand.u32 $0x1, s1  }
0x4: {  	s18 =	sshll.u32 s0, $0xA;
	s2 =	sadd.s32 s3, s2  }
0x5: {  	s2 =	sadd.s32 s2, s18  }
0x6: {  	[smem:$0x3FC6] =	sst s2  }
0x7: {  	_ = 	snop  }
0x8: {  	s2 =	sld [smem:$0x3FD0];
	(tm) =	ssettm $0x1  }
0x9: {  	s19 =	sld [smem:$0x3FFB];
	_ =	sdelay $0x3  }
0xa: {  	_ =	strace s19  }
0xb: {  	s3 =	sld [smem:$0x3FFC];
	_ =	sdelay $0x3  }
0xc: {  	_ =	strace s3  }
0xd: {  	s3 =	sld [smem:$0x3FFD];
	_ =	sdelay $0x3  }
0xe: {  	_ =	strace s3  }
0xf: {  	_ =	strace $0x8FFFFFFF  }
0x10: {  	s20 =	sld [smem:$0x3FDB];
	_ =	sdelay $0x1  }
0x11: {  	s4 =	simm.s32 $_scs_section_size  }
0x12: {  	s5 =	simm.s32 $_size__tile_overlayer_lowered;
	s6 =	simm.s32 $_tile_overlayer_lowered  }
0x13: {  	s23 =	simm.s32 $0x1BFF;
	s22 =	sshll.u32 s6, $0x1;
	s3 =	sadd.s32 s4, s20  }
0x14: {  	s7 =	simm.s32 $0x0;
	s21 =	sshll.u32 s5, $0x1;
	s5 =	sadd.s32 s22, s3  }
0x15: {  	[timem:s7], [sflag:s23] =	dma.local [hbm:s5], s21  }
0x16: {  	_ =	swait.ge [sflag:s23], s21  }
0x17: {  	s4 =	ssub.s32 $0x0, s21;
	[sflag:s23] =	ssyncset.done $0x0  }
0x18: {  	[sflag:s23] =	ssyncadd.s32 s4;
	_ =	sdelay $0x1  }
0x19: {  	s24 =	simm.s32 $0x1B8B  }
0x1a: {  	_ =	swait.ge [sflag:s24], $0x1  }
0x1b: {  	[sflag:s24] =	ssyncset.done $0x0  }
0x1c: {  	s26 =	simm.s32 $0x1B8E;
	s25 =	sld [smem:$0x3FFE];
	[sflag:s24] =	ssyncadd.s32 $0xFFFFFFFF  }
0x1d: {  	s27 =	simm.s32 $execute0_lowered;
	[smem:$0x3FD2] =	sst s26  }
0x1e: {  	s5 =	sshll.u32 s27, $0x1;
	_ =	strace $0x80000049;
	[dreg:$0x1] =	wrdreg $0xFFFFFFFF  }
0x1f: {  	s28 =	simm.s32 $_size_execute0_lowered;
	s3 =	sadd.s32 s3, s5;
	[dreg:$0x0] =	wrdreg $0x0  }
0x20: {  	s5 =	sshll.u32 s28, $0x1;
	[dreg:$0x2] =	wrdreg s3  }
0x21: {  	[dreg:$0x3] =	wrdreg s5  }
0x22: {  	[dreg:$0x4] =	wrdreg $0xC0  }
0x23: {  	_ =	task [dreg:s7], $0x5FFFF  }
0x24: {  	[dreg:$0x1] =	wrdreg $0xFFFFFFFF  }
0x25: {  	[dreg:$0x0] =	wrdreg $0x60  }
0x26: {  	[dreg:$0x2] =	wrdreg s25  }
0x27: {  	[dreg:$0x3] =	wrdreg s2  }
0x28: {  	[dreg:$0x4] =	wrdreg $0x9  }
0x29: {  	_ =	task.clear_ibuf [dreg:s7], $0x5FFFF;
	_ =	strace $0x90000049  }
0x2a: {  	s29 =	simm.s32 $0x9;
	_ =	strace $0x8000004B  }
0x2b: {  	_ =	swait.ge [sflag:s29], $0x1  }
0x2c: {  	[sflag:s29] =	ssyncadd.s32 $0xFFFFFFFF  }
0x2d: {  	_ =	strace $0x9000004B  }
0x2e: {  	_ =	sfence  }
0x2f: {  	s30 =	sld [smem:$0x0];
	_ =	sdelay $0x2  }
0x30: {  	s31 =	sshll.u32 s1, $0xD;
	s1 =	sshrl.u32 s1, $0x2  }
0x31: {  	s3 =	sand.u32 $0x4000, s31;
	s1 =	sadd.s32 s1, s30  }
0x32: {  	s0 =	sor.u32 s3, s0;
	s1 =	sshll.u32 s1, $0x11  }
0x33: {  	s0 =	sor.u32 s1, s0  }
0x34: {  	s0 =	sadd.s32 $0x8F2B, s0  }
0x35: {  	[sflag:s0] =	ssyncadd.remote.s32 $0x1  }
0x36: {  	_ =	sfence.sel $0xFFFF  }
0x37: {  	[dreg:$0x0] =	wrdreg $0xFFFFFFFF;
	(pc) =	sbr.abs _section_cstart, $3  }
0x38: {  	[dreg:$0x1] =	wrdreg $0xFFFFFFFF  }
0x39: {  	_ =	task.clear_ibuf [dreg:s7], $0x2FFFF;
	_ =	strace $0x9FFFFFFF  }
0x3a: {  	(tm) =	ssettm $0x7FFFFFFF  }
0x3b: {  	_ =	shalt  }
tec
execute0_lowered:
.L_overlay_start_1:
0x0: {  	(tag) =	ssettag $0x1  }
0x1: {  	s0 =	srdreg.scid  }
0x2: {  	s1 =	sshll.u32 s0, $0x4  }
0x3: {  	s0 =	stileid.u32;
	s1 =	sand.u32 $0x10, s1  }
0x4: {  	s1 =	sor.u32 s0, s1  }
0x5: {  	s6 =	rddreg [dreg:$0x0];
	s4 =	simm.s32 $0x1;
	s2 =	sshll.u32 s1, $0x7  }
0x6: {  	s7 =	simm.s32 $0x2;
	s12 =	simm.s32 $0x0;
	s1 =	ssub.s32 $0x4000, s2  }
0x7: {  	s8 =	simm.s32 $0x20000;
	s13 =	simm.s32 $0x0;
	s3 =	sand.u32 $0xF80, s1  }
0x8: {  	s9 =	simm.s32 $0x0;
	s5 =	sshrl.u32 s1, $0xC;
	p0 =	sne.s32 s3, $0x0  }
.Ltmp0:
0x9: {  	s1 =	rddreg [dreg:$0x2];
	s4 =	simm.s32 @!p0 $0x0;
	(pc) =	sbr.rel .LBB1_1-.Ltmp0, $4  }
0xa: {  	s11 =	simm.s32 $0x0;
	s3 =	rddreg [dreg:$0x1];
	s5 =	sadd.s32 s4, s5  }
0xb: {  	_ =	strace $0x8000004A;
	s4 =	simm.s32 $0x1;
	s5 =	smul.u32 $0x32, s5  }
0xc: {  	s6 =	sadd.s32 $0xA00, s6;
	s10 =	smov.u32 s2;
	[sflag:s4] =	ssyncpa.u1 $0x0  }
0xd: {  	p0 =	por $0x0, $0x0;
	[sflag:s7] =	ssyncpa.u1 $0x0;
	s7 =	sor.u32 $0x1, s5  }
.LBB1_4:
0xe: {  	s16 =	sshll.u32 s13, $0x3;
	s17 =	sand.u32 $0x78, s13  }
0xf: {  	s30 =	sand.u32 $0x1F800, s13;
	s12 =	sshll.u32 s12, $0x11;
	s16 =	sand.u32 $0x3C00, s16  }
0x10: {  	[tilespmem:s15+$0x810 ss:$0x81] =	vst.msk $0xffff, v2;
	s31 =	sand.u32 $0x7, s13;
	s16 =	sor.u32 s17, s16;
	s17 =	sadd.s32 s3, s30  }
0x11: {  	[tilespmem:s15+$0x1020 ss:$0x81] =	vst.msk $0xffff, v0;
	s13 =	sshll.u32 s31, $0x12;
	s12 =	sadd.s32 s12, s17;
	s16 =	sshrl.u32 s16, $0x3  }
0x12: {  	[tilespmem:s15+$0x0 ss:$0x81] =	vst.msk $0xffff, v1;
	s13 =	sor.u32 $0x400, s13;
	s12 =	sadd.s32 s16, s12  }
0x13: {  	[hbm4b:s12+s13] =	stream.strided.scatter [tilespmem:s14], [sflag:$0x2], $0x2000, s8, s13, $0x20;
	[tilespmem:$0x8080] =	vst v63  }
.LBB1_5:
0x14: {  	s14 =	sadd.s32 $0x1, s9  }
0x15: {  	s12 =	sadd.s32 $0x1000, s10;
	s16 =	smov.u32 s10;
	p2 =	sgt.s32 s14, $0x31  }
0x16: {  	s16 =	smov.u32 @p2 s12  }
0x17: {  	s14 =	simm.s32 @p2 $0x0;
	p2 =	sgt.s32 s16, $0x3FFF  }
0x18: {  	s16 =	smov.u32 @p2 s2;
	p2 =	sne.s32 s11, s7  }
.Ltmp1:
0x19: {  	p1 =	slt.u32 s11, $0x2;
	(pc) =	sbr.rel @!p2 .LBB1_6-.Ltmp1, $4  }
0x1a: {  	s15 =	simm.s32 @!p1 $0x2  }
0x1b: {  	s13 =	smov.u32 s10;
	p0 =	por !p0, !p0;
	_ =	swait.ge @!p1 [sflag:s15], $0x2000  }
0x1c: {  	s12 =	smov.u32 s9;
	[sflag:s15] =	ssyncset.done @!p1 $0x0;
	s9 =	smov.u32 s14  }
0x1d: {  	s11 =	sadd.s32 $0x1, s11;
	[sflag:s15] =	ssyncadd.s32 @!p1 $0xFFFFE000;
	s10 =	smov.u32 s16  }
.LBB1_1:
0x1e: {  	p1 =	sge.u32 s11, s5  }
0x1f: {  	s14 =	sand.u32 @!p1 $0x1FFFFFF, s9  }
0x20: {  	s15 =	smulhi.u32 @!p1 $0x4924925, s14;
	_ =	sdelay $0x1  }
0x21: {  	s15 =	smul.u32 @!p1 $0x38, s15  }
0x22: {  	s16 =	sxor.u32 @!p1 $0xFFFFFFFF, s11;
	s17 =	smul.u32 @!p1 $0x380, s10  }
0x23: {  	s31 =	sadd.s32 $0xFFFFFFFF, s11;
	s16 =	sshll.u32 @!p1 s16, $0xD;
	s14 =	ssub.s32 @!p1 s14, s15  }
0x24: {  	s15 =	sand.u32 @!p1 $0x2000, s16;
	s16 =	sadd.s32 @!p1 s6, s17;
	s14 =	sshll.u32 @!p1 s14, $0x4  }
0x25: {  	s17 =	simm.s32 @!p1 $0x1C00;
	s14 =	sadd.s32 @!p1 s14, s16;
	s16 =	simm.s32 @!p1 $0x40  }
0x26: {  	[tilespmem:s15], [sflag:$0x1] =	stream.strided.gather @!p1 [hbm4b:s14+s16], $0x2000, s17, s16, $0x38;
	[tilespmem:$0x8080] =	vst v63  }
0x27: {  	p1 =	sge.u32 s31, s5  }
.Ltmp2:
0x28: {  	_ = 	snop;
	(pc) =	sbr.rel @p1 .LBB1_5-.Ltmp2, $1  }
0x29: {  	_ =	sdelay $0x3  }
0x2a: {  	s14 =	simm.s32 $0x1  }
0x2b: {  	_ =	swait.ge [sflag:s4], $0x2000;
	s14 =	simm.s32 @!p0 $0x0  }
0x2c: {  	[sflag:s4] =	ssyncset.done $0x0;
	s15 =	sshll.u32 s14, $0xD  }
0x2d: {  	[sflag:s4] =	ssyncadd.s32 $0xFFFFE000;
	s18 =	sor.u32 $0x20, s15  }
0x2e: {  	s14 =	smul.u32 $0x8100, s14;
	v3 =	vld [tilespmem:s18+$0x10]  }
0x2f: {  	s30 =	sand.u32 $0x1, s11;
	v2 =	vld [tilespmem:s18+$0xFFFFFFF0]  }
0x30: {  	s15 =	smul.u32 $0x8100, s30;
	s14 =	sshrl.u32 s14, $0x2;
	v0 =	vld [tilespmem:s18+$0x0]  }
0x31: {  	v1 =	vld [tilespmem:s18+$0xFFFFFFE0];
	s16 =	sor.u32 $0x4000, s14  }
0x32: {  	s31 =	sshrl.u32 s15, $0x2;
	s15 =	sadd.s32 $0x0, s16  }
0x33: {  	s17 =	simm.s32 $0x4;
	s18 =	sadd.s32 $0x40, s18;
	s14 =	sor.u32 $0x4000, s31;
	[tilespmem:s15+$0x1830 ss:$0x81] =	vst.msk $0xffff, v3  }
.LBB1_3:
0x34: {  	v3 =	vld [tilespmem:s18+$0x10];
	p1 =	sne.s32 s17, $0x1FC;
	[tilespmem:s15+$0x810 ss:$0x81] =	vst.msk $0xffff, v2;
	s19 =	smov.u32 s17;
	s17 =	sadd.s32 $0x4, s17  }
.Ltmp3:
0x35: {  	v2 =	vld [tilespmem:s18+$0xFFFFFFF0];
	[tilespmem:s15+$0x1020 ss:$0x81] =	vst.msk $0xffff, v0;
	(pc) =	sbr.rel @p1 .LBB1_3-.Ltmp3, $4  }
0x36: {  	v0 =	vld [tilespmem:s18+$0x0];
	[tilespmem:s15+$0x0 ss:$0x81] =	vst.msk $0xffff, v1  }
0x37: {  	s15 =	sshra.s32 s19, $0x2;
	v1 =	vld [tilespmem:s18+$0xFFFFFFE0]  }
0x38: {  	s15 =	sadd.s32 s15, s16  }
0x39: {  	s18 =	sadd.s32 $0x40, s18;
	[tilespmem:s15+$0x1830 ss:$0x81] =	vst.msk $0xffff, v3  }
.Ltmp4:
0x3a: {  	_ = 	snop;
	(pc) =	sbr.rel .LBB1_4-.Ltmp4, $1  }
0x3b: {  	_ =	sdelay $0x3  }
.LBB1_6:
0x3c: {  	_ =	sfence.sel $0x180000  }
0x3d: {  	s2 =	simm.s32 $0x1;
	[bflag:$0x0] =	sbarrier.arrive $0xFFFF  }
0x3e: {  	s31 =	simm.s32 $0x2;
	[sflag:s2] =	ssyncpa.u1 $0x1  }
0x3f: {  	[sflag:s31] =	ssyncpa.u1 $0x1  }
0x40: {  	p0 =	sne.s32 s0, $0x0;
	_ =	strace $0x9000004A  }
0x41: {  	s0 =	sadd.s32 @!p0 $0x100000, s1;
	[bflag:$0x2] =	sbarrier.arrive $0xFFFF  }
0x42: {  	[sflag:s0] =	ssyncadd.tile.s32 @!p0 $0x1;
	_ =	shalt  }
.Lfunc_end1:
_tile_overlayer_lowered:
.L_overlay_start_2:
0x43: {  	(tag) =	ssettag $0x2  }
0x44: {  	s0 =	rddreg [dreg:$0x0];
	s2 =	stileid.u32  }
0x45: {  	s1 =	rddreg [dreg:$0x1];
	p0 =	sne.s32 s2, $0x0  }
0x46: {  	s3 =	rddreg [dreg:$0x2];
	[bflag:$0x3] =	sbarrier.arrive $0xFFFF;
	s2 =	simm.s32 @!p0 $0x1C01  }
0x47: {  	[timem:s3], [sflag:s2] =	dma.local @!p0 [hbm:s0], s1  }
0x48: {  	s0 =	simm.s32 @!p0 $0x1  }
0x49: {  	_ =	swait.ge @!p0 [sflag:s0], s1  }
0x4a: {  	s1 =	ssub.s32 @!p0 $0x0, s1;
	[sflag:s0] =	ssyncset.done @!p0 $0x0  }
0x4b: {  	[sflag:s0] =	ssyncadd.s32 @!p0 s1  }
0x4c: {  	[bflag:$0x3] =	sbarrier.arrive $0xFFFF  }
0x4d: {  	_ =	shalt  }

</sc_bundles>
